<compile_context>
chip_gen: v7x
topology: tpu7x:2x2x1
jax: 0.10.2.dev20260603
libtpu: 0.0.44.dev20260713+nightly
codegen_flags: <defaults>
</compile_context>

<pallas_src>
import jax
import jax.numpy as jnp
from jax import lax
from jax.experimental import pallas as pl
from jax.experimental.pallas import tpu as pltpu
from jax.experimental.pallas import tpu_sc as plsc

B = 16384
T = 26
D = 16

NC = 2
NS = 16
NW = NC * NS
BPW = B // NW
C = 64
NCHUNK = BPW // C
NG = C // 16


def _body(user_hbm, item_hbm, uemb_hbm, iemb_hbm, bc_hbm,
          out_hbm, idx_u, idx_i, urows, irows, bcbuf, bc65,
          outv, sem):
  wid = lax.axis_index("s") * NC + lax.axis_index("c")
  base = wid * BPW

  pltpu.sync_copy(user_hbm.at[pl.ds(base, BPW)], idx_u)
  pltpu.sync_copy(item_hbm.at[pl.ds(base, BPW)], idx_i)

  iota = lax.iota(jnp.int32, 16)
  rot = [jnp.bitwise_and(iota + d, 15) for d in range(D)]

  @pl.loop(0, NCHUNK)
  def _chunk(c):
    iu = idx_u.at[pl.ds(c * C, C)]
    ii = idx_i.at[pl.ds(c * C, C)]
    cps = [
        pltpu.async_copy(uemb_hbm.at[iu], urows, sem),
        pltpu.async_copy(iemb_hbm.at[ii], irows, sem),
        pltpu.async_copy(bc_hbm.at[pl.ds(base + c * C, C), :], bcbuf, sem),
    ]
    for cp in cps:
      cp.wait()

    @pl.loop(0, C)
    def _repack(l):
      for k in range(4):
        v = plsc.load_gather(bcbuf, [jnp.full((16,), l, jnp.int32),
                                     iota + k * 16])
        plsc.store_scatter(bc65, [l * 65 + k * 16 + iota], v)

    @pl.loop(0, NG)
    def _group(g):
      rvec = iota + g * 16
      bbase = rvec * 65

      @pl.loop(0, T, init_carry=jnp.zeros((16,), jnp.float32), unroll=2)
      def _tag(t, acc):
        ps = [jnp.zeros((16,), jnp.float32) for _ in range(4)]
        for d in range(D):
          cvec = rot[d] + t * D
          uu = plsc.load_gather(urows, [rvec, cvec])
          iv = plsc.load_gather(irows, [rvec, cvec])
          ps[d % 4] = ps[d % 4] + uu * iv
        s = (ps[0] + ps[1]) + (ps[2] + ps[3])
        s = s + plsc.load_gather(bc65, [bbase + t])
        sig = 1.0 / (1.0 + jnp.exp(-s))
        cf = plsc.load_gather(bc65, [bbase + (32 + t)])
        return acc + sig * cf

      outv[pl.ds(c * C + g * 16, 16)] = _tag

  pltpu.sync_copy(outv, out_hbm.at[pl.ds(base, BPW)])


@jax.jit
def _run(user, item, uemb, iemb, bc):
  mesh = plsc.VectorSubcoreMesh(core_axis_name="c", subcore_axis_name="s")
  f = pl.kernel(
      _body,
      out_type=jax.ShapeDtypeStruct((B,), jnp.float32),
      mesh=mesh,
      scratch_types=[
          pltpu.VMEM((BPW,), jnp.int32),
          pltpu.VMEM((BPW,), jnp.int32),
          pltpu.VMEM((C, T * D), jnp.float32),
          pltpu.VMEM((C, T * D), jnp.float32),
          pltpu.VMEM((C, 128), jnp.float32),
          pltpu.VMEM((C * 65,), jnp.float32),
          pltpu.VMEM((BPW,), jnp.float32),
          pltpu.SemaphoreType.DMA,
      ],
      compiler_params=pltpu.CompilerParams(use_tc_tiling_on_sc=False,
                                           needs_layout_passes=False),
  )
  return f(user, item, uemb, iemb, bc)


def kernel(user, item, user_tag_embeddings, item_tag_embeddings,
           user_aspect_bias, item_aspect_bias, global_aspect_bias,
           user_coeff, item_coeff, global_coeff):
  user = user.astype(jnp.int32)
  item = item.astype(jnp.int32)
  bsum = (jnp.take(user_aspect_bias, user, axis=0)
          + jnp.take(item_aspect_bias, item, axis=0)
          + global_aspect_bias)
  csum = (jnp.take(user_coeff, user, axis=0)
          + jnp.take(item_coeff, item, axis=0)
          + global_coeff)
  z6 = jnp.zeros((B, 32 - T), jnp.float32)
  z70 = jnp.zeros((B, 128 - 32 - T), jnp.float32)
  bc = jnp.concatenate([bsum, z6, csum, z70], axis=1)
  uemb = user_tag_embeddings.reshape(-1, T * D)
  iemb = item_tag_embeddings.reshape(-1, T * D)
  return _run(user, item, uemb, iemb, bc)

# --- scband reference (transcript-rebuilt; emitter-appended) ---
"""Pipeline reference for scband-one-tag-sulm-28252294873589 (READ-ONLY COPY).

The authoritative reference and input builder live on the scoring server;
editing this copy changes nothing except your own understanding.
"""

import jax, jax.numpy as jnp
import numpy as np

USER_NUM = 100000
ITEM_NUM = 100000
TAG_NUM = 26
EMB = 16
BATCH = 16384


def setup_inputs(seed: int = 0) -> dict:
    key = jax.random.key(seed)
    ks = jax.random.split(key, 10)
    user = jax.random.randint(ks[0], (BATCH,), 0, USER_NUM, dtype=jnp.int64 if jax.config.jax_enable_x64 else jnp.int32)
    item = jax.random.randint(ks[1], (BATCH,), 0, ITEM_NUM, dtype=jnp.int64 if jax.config.jax_enable_x64 else jnp.int32)
    user_tag_embeddings = 0.01 * jax.random.normal(ks[2], (USER_NUM, TAG_NUM, EMB), dtype=jnp.float32)
    item_tag_embeddings = 0.01 * jax.random.normal(ks[3], (ITEM_NUM, TAG_NUM, EMB), dtype=jnp.float32)
    user_aspect_bias = 0.01 * jax.random.normal(ks[4], (USER_NUM, TAG_NUM), dtype=jnp.float32)
    item_aspect_bias = 0.01 * jax.random.normal(ks[5], (ITEM_NUM, TAG_NUM), dtype=jnp.float32)
    global_aspect_bias = 0.01 * jax.random.normal(ks[6], (1, TAG_NUM), dtype=jnp.float32)
    user_coeff = 0.01 * jax.random.normal(ks[7], (USER_NUM, TAG_NUM), dtype=jnp.float32)
    item_coeff = 0.01 * jax.random.normal(ks[8], (ITEM_NUM, TAG_NUM), dtype=jnp.float32)
    global_coeff = 1.0 / TAG_NUM + 0.01 * jax.random.normal(ks[9], (1, TAG_NUM), dtype=jnp.float32)
    return {
        "user": user,
        "item": item,
        "user_tag_embeddings": user_tag_embeddings,
        "item_tag_embeddings": item_tag_embeddings,
        "user_aspect_bias": user_aspect_bias,
        "item_aspect_bias": item_aspect_bias,
        "global_aspect_bias": global_aspect_bias,
        "user_coeff": user_coeff,
        "item_coeff": item_coeff,
        "global_coeff": global_coeff,
    }


def reference(user, item, user_tag_embeddings, item_tag_embeddings,
              user_aspect_bias, item_aspect_bias, global_aspect_bias,
              user_coeff, item_coeff, global_coeff):
    # get_all_tag_score
    u_emb = jnp.take(user_tag_embeddings, user, axis=0)  # [B, T, D]
    i_emb = jnp.take(item_tag_embeddings, item, axis=0)  # [B, T, D]
    score = (u_emb * i_emb).sum(axis=2)
    score = score + jnp.take(user_aspect_bias, user, axis=0)
    score = score + jnp.take(item_aspect_bias, item, axis=0)
    score = score + global_aspect_bias
    score = jax.nn.sigmoid(score)  # [B, T]
    # predict_rating
    uif_coeff = jnp.take(user_coeff, user, axis=0) + jnp.take(item_coeff, item, axis=0) + global_coeff
    rating = (score * uif_coeff).sum(axis=1)  # [B]
    return rating

if __name__ == "__main__":
    import jax
    _d = setup_inputs()
    print(jax.jit(kernel)(*tuple(_d.values())))

</pallas_src>

<mosaic_0001>
#map = affine_map<(d0, d1) -> (0)>
#map1 = affine_map<(d0, d1) -> (0, 0)>
module attributes {stable_mosaic.version = 14 : i64} {
  func.func @_body(%arg0: i32, %arg1: i32, %arg2: memref<16384xi32, #tpu.memory_space<hbm>>, %arg3: memref<16384xi32, #tpu.memory_space<hbm>>, %arg4: memref<100000x416xf32, #tpu.memory_space<hbm>>, %arg5: memref<100000x416xf32, #tpu.memory_space<hbm>>, %arg6: memref<16384x128xf32, #tpu.memory_space<hbm>>, %arg7: memref<16384xf32, #tpu.memory_space<hbm>>, %arg8: memref<512xi32, #tpu.memory_space<vmem>>, %arg9: memref<512xi32, #tpu.memory_space<vmem>>, %arg10: memref<64x416xf32, #tpu.memory_space<vmem>>, %arg11: memref<64x416xf32, #tpu.memory_space<vmem>>, %arg12: memref<64x128xf32, #tpu.memory_space<vmem>>, %arg13: memref<4160xf32, #tpu.memory_space<vmem>>, %arg14: memref<512xf32, #tpu.memory_space<vmem>>, %arg15: memref<!tpu.dma_semaphore, #tpu.memory_space<semaphore_mem>>) attributes {dimension_semantics = [#tpu.dimension_semantics<core_parallel>, #tpu.dimension_semantics<subcore_parallel>], iteration_bounds = array<i64: 2, 16>, scalar_prefetch = 0 : i64, scratch_operands = 8 : i64, tpu.core_type = #tpu.core_type<sc_vector_subcore>, window_params = [{transform_indices = #map}, {transform_indices = #map}, {transform_indices = #map1}, {transform_indices = #map1}, {transform_indices = #map1}, {transform_indices = #map}]} {
    %mul3A = arith.constant 2 : i32
    %mul3A_0 = arith.muli %arg1, %mul3A : i32
    %add3A = arith.addi %mul3A_0, %arg0 : i32
    %mul3A_1 = arith.constant 512 : i32
    %mul3A_2 = arith.muli %add3A, %mul3A_1 : i32
    "tpu.region"() ({
      %run_scoped3A = tpu.sem_alloc : memref<!tpu.dma_semaphore, #tpu.memory_space<semaphore_mem>>
      %dma_start3A = tpu.memref_slice %arg2[%mul3A_2] : memref<16384xi32, #tpu.memory_space<hbm>> -> memref<512xi32, #tpu.memory_space<hbm>>
      %dma_start3A_102 = tpu.memref_slice %arg2[%mul3A_2] : memref<16384xi32, #tpu.memory_space<hbm>> -> memref<512xi32, #tpu.memory_space<hbm>>
      tpu.enqueue_dma source(%dma_start3A_102 : memref<512xi32, #tpu.memory_space<hbm>>) target(%arg8 : memref<512xi32, #tpu.memory_space<vmem>>) target_semaphore(%run_scoped3A : memref<!tpu.dma_semaphore, #tpu.memory_space<semaphore_mem>>)
      %dma_wait3A = tpu.memref_slice %arg2[%mul3A_2] : memref<16384xi32, #tpu.memory_space<hbm>> -> memref<512xi32, #tpu.memory_space<hbm>>
      %dma_wait3A_103 = tpu.memref_slice %arg2[%mul3A_2] : memref<16384xi32, #tpu.memory_space<hbm>> -> memref<512xi32, #tpu.memory_space<hbm>>
      tpu.wait_dma2 semaphore(%run_scoped3A : memref<!tpu.dma_semaphore, #tpu.memory_space<semaphore_mem>>) src(%dma_wait3A_103 : memref<512xi32, #tpu.memory_space<hbm>>) dst(%arg8 : memref<512xi32, #tpu.memory_space<vmem>>)
      tpu.yield
    }) : () -> ()
    "tpu.region"() ({
      %run_scoped3A = tpu.sem_alloc : memref<!tpu.dma_semaphore, #tpu.memory_space<semaphore_mem>>
      %dma_start3A = tpu.memref_slice %arg3[%mul3A_2] : memref<16384xi32, #tpu.memory_space<hbm>> -> memref<512xi32, #tpu.memory_space<hbm>>
      %dma_start3A_102 = tpu.memref_slice %arg3[%mul3A_2] : memref<16384xi32, #tpu.memory_space<hbm>> -> memref<512xi32, #tpu.memory_space<hbm>>
      tpu.enqueue_dma source(%dma_start3A_102 : memref<512xi32, #tpu.memory_space<hbm>>) target(%arg9 : memref<512xi32, #tpu.memory_space<vmem>>) target_semaphore(%run_scoped3A : memref<!tpu.dma_semaphore, #tpu.memory_space<semaphore_mem>>)
      %dma_wait3A = tpu.memref_slice %arg3[%mul3A_2] : memref<16384xi32, #tpu.memory_space<hbm>> -> memref<512xi32, #tpu.memory_space<hbm>>
      %dma_wait3A_103 = tpu.memref_slice %arg3[%mul3A_2] : memref<16384xi32, #tpu.memory_space<hbm>> -> memref<512xi32, #tpu.memory_space<hbm>>
      tpu.wait_dma2 semaphore(%run_scoped3A : memref<!tpu.dma_semaphore, #tpu.memory_space<semaphore_mem>>) src(%dma_wait3A_103 : memref<512xi32, #tpu.memory_space<hbm>>) dst(%arg9 : memref<512xi32, #tpu.memory_space<vmem>>)
      tpu.yield
    }) : () -> ()
    %iota3A = tpu.iota {dimensions = array<i32: 0>} : vector<16xi32>
    %add3A_3 = arith.constant 0 : i32
    %add3A_4 = vector.broadcast %add3A_3 : i32 to vector<16xi32>
    %add3A_5 = arith.addi %iota3A, %add3A_4 : vector<16xi32>
    %and3A = arith.constant 15 : i32
    %and3A_6 = vector.broadcast %and3A : i32 to vector<16xi32>
    %and3A_7 = arith.andi %add3A_5, %and3A_6 : vector<16xi32>
    %add3A_8 = arith.constant 1 : i32
    %add3A_9 = vector.broadcast %add3A_8 : i32 to vector<16xi32>
    %add3A_10 = arith.addi %iota3A, %add3A_9 : vector<16xi32>
    %and3A_11 = arith.constant 15 : i32
    %and3A_12 = vector.broadcast %and3A_11 : i32 to vector<16xi32>
    %and3A_13 = arith.andi %add3A_10, %and3A_12 : vector<16xi32>
    %add3A_14 = arith.constant 2 : i32
    %add3A_15 = vector.broadcast %add3A_14 : i32 to vector<16xi32>
    %add3A_16 = arith.addi %iota3A, %add3A_15 : vector<16xi32>
    %and3A_17 = arith.constant 15 : i32
    %and3A_18 = vector.broadcast %and3A_17 : i32 to vector<16xi32>
    %and3A_19 = arith.andi %add3A_16, %and3A_18 : vector<16xi32>
    %add3A_20 = arith.constant 3 : i32
    %add3A_21 = vector.broadcast %add3A_20 : i32 to vector<16xi32>
    %add3A_22 = arith.addi %iota3A, %add3A_21 : vector<16xi32>
    %and3A_23 = arith.constant 15 : i32
    %and3A_24 = vector.broadcast %and3A_23 : i32 to vector<16xi32>
    %and3A_25 = arith.andi %add3A_22, %and3A_24 : vector<16xi32>
    %add3A_26 = arith.constant 4 : i32
    %add3A_27 = vector.broadcast %add3A_26 : i32 to vector<16xi32>
    %add3A_28 = arith.addi %iota3A, %add3A_27 : vector<16xi32>
    %and3A_29 = arith.constant 15 : i32
    %and3A_30 = vector.broadcast %and3A_29 : i32 to vector<16xi32>
    %and3A_31 = arith.andi %add3A_28, %and3A_30 : vector<16xi32>
    %add3A_32 = arith.constant 5 : i32
    %add3A_33 = vector.broadcast %add3A_32 : i32 to vector<16xi32>
    %add3A_34 = arith.addi %iota3A, %add3A_33 : vector<16xi32>
    %and3A_35 = arith.constant 15 : i32
    %and3A_36 = vector.broadcast %and3A_35 : i32 to vector<16xi32>
    %and3A_37 = arith.andi %add3A_34, %and3A_36 : vector<16xi32>
    %add3A_38 = arith.constant 6 : i32
    %add3A_39 = vector.broadcast %add3A_38 : i32 to vector<16xi32>
    %add3A_40 = arith.addi %iota3A, %add3A_39 : vector<16xi32>
    %and3A_41 = arith.constant 15 : i32
    %and3A_42 = vector.broadcast %and3A_41 : i32 to vector<16xi32>
    %and3A_43 = arith.andi %add3A_40, %and3A_42 : vector<16xi32>
    %add3A_44 = arith.constant 7 : i32
    %add3A_45 = vector.broadcast %add3A_44 : i32 to vector<16xi32>
    %add3A_46 = arith.addi %iota3A, %add3A_45 : vector<16xi32>
    %and3A_47 = arith.constant 15 : i32
    %and3A_48 = vector.broadcast %and3A_47 : i32 to vector<16xi32>
    %and3A_49 = arith.andi %add3A_46, %and3A_48 : vector<16xi32>
    %add3A_50 = arith.constant 8 : i32
    %add3A_51 = vector.broadcast %add3A_50 : i32 to vector<16xi32>
    %add3A_52 = arith.addi %iota3A, %add3A_51 : vector<16xi32>
    %and3A_53 = arith.constant 15 : i32
    %and3A_54 = vector.broadcast %and3A_53 : i32 to vector<16xi32>
    %and3A_55 = arith.andi %add3A_52, %and3A_54 : vector<16xi32>
    %add3A_56 = arith.constant 9 : i32
    %add3A_57 = vector.broadcast %add3A_56 : i32 to vector<16xi32>
    %add3A_58 = arith.addi %iota3A, %add3A_57 : vector<16xi32>
    %and3A_59 = arith.constant 15 : i32
    %and3A_60 = vector.broadcast %and3A_59 : i32 to vector<16xi32>
    %and3A_61 = arith.andi %add3A_58, %and3A_60 : vector<16xi32>
    %add3A_62 = arith.constant 10 : i32
    %add3A_63 = vector.broadcast %add3A_62 : i32 to vector<16xi32>
    %add3A_64 = arith.addi %iota3A, %add3A_63 : vector<16xi32>
    %and3A_65 = arith.constant 15 : i32
    %and3A_66 = vector.broadcast %and3A_65 : i32 to vector<16xi32>
    %and3A_67 = arith.andi %add3A_64, %and3A_66 : vector<16xi32>
    %add3A_68 = arith.constant 11 : i32
    %add3A_69 = vector.broadcast %add3A_68 : i32 to vector<16xi32>
    %add3A_70 = arith.addi %iota3A, %add3A_69 : vector<16xi32>
    %and3A_71 = arith.constant 15 : i32
    %and3A_72 = vector.broadcast %and3A_71 : i32 to vector<16xi32>
    %and3A_73 = arith.andi %add3A_70, %and3A_72 : vector<16xi32>
    %add3A_74 = arith.constant 12 : i32
    %add3A_75 = vector.broadcast %add3A_74 : i32 to vector<16xi32>
    %add3A_76 = arith.addi %iota3A, %add3A_75 : vector<16xi32>
    %and3A_77 = arith.constant 15 : i32
    %and3A_78 = vector.broadcast %and3A_77 : i32 to vector<16xi32>
    %and3A_79 = arith.andi %add3A_76, %and3A_78 : vector<16xi32>
    %add3A_80 = arith.constant 13 : i32
    %add3A_81 = vector.broadcast %add3A_80 : i32 to vector<16xi32>
    %add3A_82 = arith.addi %iota3A, %add3A_81 : vector<16xi32>
    %and3A_83 = arith.constant 15 : i32
    %and3A_84 = vector.broadcast %and3A_83 : i32 to vector<16xi32>
    %and3A_85 = arith.andi %add3A_82, %and3A_84 : vector<16xi32>
    %add3A_86 = arith.constant 14 : i32
    %add3A_87 = vector.broadcast %add3A_86 : i32 to vector<16xi32>
    %add3A_88 = arith.addi %iota3A, %add3A_87 : vector<16xi32>
    %and3A_89 = arith.constant 15 : i32
    %and3A_90 = vector.broadcast %and3A_89 : i32 to vector<16xi32>
    %and3A_91 = arith.andi %add3A_88, %and3A_90 : vector<16xi32>
    %add3A_92 = arith.constant 15 : i32
    %add3A_93 = vector.broadcast %add3A_92 : i32 to vector<16xi32>
    %add3A_94 = arith.addi %iota3A, %add3A_93 : vector<16xi32>
    %and3A_95 = arith.constant 15 : i32
    %and3A_96 = vector.broadcast %and3A_95 : i32 to vector<16xi32>
    %and3A_97 = arith.andi %add3A_94, %and3A_96 : vector<16xi32>
    %scan3A = arith.constant 0 : i32
    %scan3A_98 = arith.constant 8 : i32
    %scan3A_99 = arith.addi %scan3A, %scan3A_98 : i32
    %scan3A_100 = arith.constant 1 : i32
    scf.for %scan3A_102 = %scan3A to %scan3A_99 step %scan3A_100  : i32 {
      %mul3A_103 = arith.constant 1 : i32
      %mul3A_104 = arith.muli %scan3A_102, %mul3A_103 : i32
      %add3A_105 = arith.constant 0 : i32
      %add3A_106 = arith.addi %add3A_105, %mul3A_104 : i32
      %mul3A_107 = arith.constant 64 : i32
      %mul3A_108 = arith.muli %add3A_106, %mul3A_107 : i32
      %mul3A_109 = arith.constant 64 : i32
      %mul3A_110 = arith.muli %add3A_106, %mul3A_109 : i32
      %dma_start3A = tpu.memref_slice %arg8[%mul3A_108] : memref<512xi32, #tpu.memory_space<vmem>> -> memref<64xi32, #tpu.memory_space<vmem>>
      %dma_start3A_111 = arith.constant 0 : i32
      %dma_start3A_112 = arith.constant 0 : i32
      %dma_start3A_113 = tpu.memref_slice %arg4[%dma_start3A_111, %dma_start3A_112] : memref<100000x416xf32, #tpu.memory_space<hbm>> -> memref<100000x416xf32, #tpu.memory_space<hbm>>
      tpu.enqueue_indirect_dma source(%dma_start3A_113 : memref<100000x416xf32, #tpu.memory_space<hbm>>) target(%arg10 : memref<64x416xf32, #tpu.memory_space<vmem>>) offsets(%dma_start3A : memref<64xi32, #tpu.memory_space<vmem>>) semaphore(%arg15 : memref<!tpu.dma_semaphore, #tpu.memory_space<semaphore_mem>>)
      %dma_start3A_114 = tpu.memref_slice %arg9[%mul3A_110] : memref<512xi32, #tpu.memory_space<vmem>> -> memref<64xi32, #tpu.memory_space<vmem>>
      %dma_start3A_115 = arith.constant 0 : i32
      %dma_start3A_116 = arith.constant 0 : i32
      %dma_start3A_117 = tpu.memref_slice %arg5[%dma_start3A_115, %dma_start3A_116] : memref<100000x416xf32, #tpu.memory_space<hbm>> -> memref<100000x416xf32, #tpu.memory_space<hbm>>
      tpu.enqueue_indirect_dma source(%dma_start3A_117 : memref<100000x416xf32, #tpu.memory_space<hbm>>) target(%arg11 : memref<64x416xf32, #tpu.memory_space<vmem>>) offsets(%dma_start3A_114 : memref<64xi32, #tpu.memory_space<vmem>>) semaphore(%arg15 : memref<!tpu.dma_semaphore, #tpu.memory_space<semaphore_mem>>)
      %mul3A_118 = arith.constant 64 : i32
      %mul3A_119 = arith.muli %add3A_106, %mul3A_118 : i32
      %add3A_120 = arith.addi %mul3A_2, %mul3A_119 : i32
      %dma_start3A_121 = arith.constant 0 : i32
      %dma_start3A_122 = tpu.memref_slice %arg6[%add3A_120, %dma_start3A_121] : memref<16384x128xf32, #tpu.memory_space<hbm>> -> memref<64x128xf32, #tpu.memory_space<hbm>>
      %dma_start3A_123 = arith.constant 0 : i32
      %dma_start3A_124 = tpu.memref_slice %arg6[%add3A_120, %dma_start3A_123] : memref<16384x128xf32, #tpu.memory_space<hbm>> -> memref<64x128xf32, #tpu.memory_space<hbm>>
      tpu.enqueue_dma source(%dma_start3A_124 : memref<64x128xf32, #tpu.memory_space<hbm>>) target(%arg12 : memref<64x128xf32, #tpu.memory_space<vmem>>) target_semaphore(%arg15 : memref<!tpu.dma_semaphore, #tpu.memory_space<semaphore_mem>>)
      %dma_wait3A = tpu.memref_slice %arg8[%mul3A_108] : memref<512xi32, #tpu.memory_space<vmem>> -> memref<64xi32, #tpu.memory_space<vmem>>
      %dma_wait3A_125 = arith.constant 0 : i32
      %dma_wait3A_126 = arith.constant 0 : i32
      %dma_wait3A_127 = tpu.memref_slice %arg4[%dma_wait3A_125, %dma_wait3A_126] : memref<100000x416xf32, #tpu.memory_space<hbm>> -> memref<100000x416xf32, #tpu.memory_space<hbm>>
      tpu.wait_indirect_dma semaphore(%arg15 : memref<!tpu.dma_semaphore, #tpu.memory_space<semaphore_mem>>) src(%dma_wait3A_127 : memref<100000x416xf32, #tpu.memory_space<hbm>>) dst(%arg10 : memref<64x416xf32, #tpu.memory_space<vmem>>)
      %dma_wait3A_128 = tpu.memref_slice %arg9[%mul3A_110] : memref<512xi32, #tpu.memory_space<vmem>> -> memref<64xi32, #tpu.memory_space<vmem>>
      %dma_wait3A_129 = arith.constant 0 : i32
      %dma_wait3A_130 = arith.constant 0 : i32
      %dma_wait3A_131 = tpu.memref_slice %arg5[%dma_wait3A_129, %dma_wait3A_130] : memref<100000x416xf32, #tpu.memory_space<hbm>> -> memref<100000x416xf32, #tpu.memory_space<hbm>>
      tpu.wait_indirect_dma semaphore(%arg15 : memref<!tpu.dma_semaphore, #tpu.memory_space<semaphore_mem>>) src(%dma_wait3A_131 : memref<100000x416xf32, #tpu.memory_space<hbm>>) dst(%arg11 : memref<64x416xf32, #tpu.memory_space<vmem>>)
      %dma_wait3A_132 = arith.constant 0 : i32
      %dma_wait3A_133 = tpu.memref_slice %arg6[%add3A_120, %dma_wait3A_132] : memref<16384x128xf32, #tpu.memory_space<hbm>> -> memref<64x128xf32, #tpu.memory_space<hbm>>
      %dma_wait3A_134 = arith.constant 0 : i32
      %dma_wait3A_135 = tpu.memref_slice %arg6[%add3A_120, %dma_wait3A_134] : memref<16384x128xf32, #tpu.memory_space<hbm>> -> memref<64x128xf32, #tpu.memory_space<hbm>>
      tpu.wait_dma2 semaphore(%arg15 : memref<!tpu.dma_semaphore, #tpu.memory_space<semaphore_mem>>) src(%dma_wait3A_135 : memref<64x128xf32, #tpu.memory_space<hbm>>) dst(%arg12 : memref<64x128xf32, #tpu.memory_space<vmem>>)
      %scan3A_136 = arith.constant 0 : i32
      %scan3A_137 = arith.constant 64 : i32
      %scan3A_138 = arith.addi %scan3A_136, %scan3A_137 : i32
      %scan3A_139 = arith.constant 1 : i32
      scf.for %scan3A_146 = %scan3A_136 to %scan3A_138 step %scan3A_139  : i32 {
        %mul3A_147 = arith.constant 1 : i32
        %mul3A_148 = arith.muli %scan3A_146, %mul3A_147 : i32
        %add3A_149 = arith.constant 0 : i32
        %add3A_150 = arith.addi %add3A_149, %mul3A_148 : i32
        %broadcast_in_dim3A = vector.broadcast %add3A_150 : i32 to vector<16xi32>
        %add3A_151 = arith.constant 0 : i32
        %add3A_152 = vector.broadcast %add3A_151 : i32 to vector<16xi32>
        %add3A_153 = arith.addi %iota3A, %add3A_152 : vector<16xi32>
        %gather3A = tpu.vector_load_idx %arg12[%broadcast_in_dim3A, %add3A_153] : memref<64x128xf32, #tpu.memory_space<vmem>>[vector<16xi32>, vector<16xi32>], vector<16xf32>,
        %mul3A_154 = arith.constant 65 : i32
        %mul3A_155 = arith.muli %add3A_150, %mul3A_154 : i32
        %add3A_156 = arith.constant 0 : i32
        %add3A_157 = arith.addi %mul3A_155, %add3A_156 : i32
        %add3A_158 = vector.broadcast %add3A_157 : i32 to vector<16xi32>
        %add3A_159 = arith.addi %add3A_158, %iota3A : vector<16xi32>
        tpu.vector_store_idx %arg13[%add3A_159], %gather3A : memref<4160xf32, #tpu.memory_space<vmem>>[vector<16xi32>], vector<16xf32>,
        %broadcast_in_dim3A_160 = vector.broadcast %add3A_150 : i32 to vector<16xi32>
        %add3A_161 = arith.constant 16 : i32
        %add3A_162 = vector.broadcast %add3A_161 : i32 to vector<16xi32>
        %add3A_163 = arith.addi %iota3A, %add3A_162 : vector<16xi32>
        %gather3A_164 = tpu.vector_load_idx %arg12[%broadcast_in_dim3A_160, %add3A_163] : memref<64x128xf32, #tpu.memory_space<vmem>>[vector<16xi32>, vector<16xi32>], vector<16xf32>,
        %mul3A_165 = arith.constant 65 : i32
        %mul3A_166 = arith.muli %add3A_150, %mul3A_165 : i32
        %add3A_167 = arith.constant 16 : i32
        %add3A_168 = arith.addi %mul3A_166, %add3A_167 : i32
        %add3A_169 = vector.broadcast %add3A_168 : i32 to vector<16xi32>
        %add3A_170 = arith.addi %add3A_169, %iota3A : vector<16xi32>
        tpu.vector_store_idx %arg13[%add3A_170], %gather3A_164 : memref<4160xf32, #tpu.memory_space<vmem>>[vector<16xi32>], vector<16xf32>,
        %broadcast_in_dim3A_171 = vector.broadcast %add3A_150 : i32 to vector<16xi32>
        %add3A_172 = arith.constant 32 : i32
        %add3A_173 = vector.broadcast %add3A_172 : i32 to vector<16xi32>
        %add3A_174 = arith.addi %iota3A, %add3A_173 : vector<16xi32>
        %gather3A_175 = tpu.vector_load_idx %arg12[%broadcast_in_dim3A_171, %add3A_174] : memref<64x128xf32, #tpu.memory_space<vmem>>[vector<16xi32>, vector<16xi32>], vector<16xf32>,
        %mul3A_176 = arith.constant 65 : i32
        %mul3A_177 = arith.muli %add3A_150, %mul3A_176 : i32
        %add3A_178 = arith.constant 32 : i32
        %add3A_179 = arith.addi %mul3A_177, %add3A_178 : i32
        %add3A_180 = vector.broadcast %add3A_179 : i32 to vector<16xi32>
        %add3A_181 = arith.addi %add3A_180, %iota3A : vector<16xi32>
        tpu.vector_store_idx %arg13[%add3A_181], %gather3A_175 : memref<4160xf32, #tpu.memory_space<vmem>>[vector<16xi32>], vector<16xf32>,
        %broadcast_in_dim3A_182 = vector.broadcast %add3A_150 : i32 to vector<16xi32>
        %add3A_183 = arith.constant 48 : i32
        %add3A_184 = vector.broadcast %add3A_183 : i32 to vector<16xi32>
        %add3A_185 = arith.addi %iota3A, %add3A_184 : vector<16xi32>
        %gather3A_186 = tpu.vector_load_idx %arg12[%broadcast_in_dim3A_182, %add3A_185] : memref<64x128xf32, #tpu.memory_space<vmem>>[vector<16xi32>, vector<16xi32>], vector<16xf32>,
        %mul3A_187 = arith.constant 65 : i32
        %mul3A_188 = arith.muli %add3A_150, %mul3A_187 : i32
        %add3A_189 = arith.constant 48 : i32
        %add3A_190 = arith.addi %mul3A_188, %add3A_189 : i32
        %add3A_191 = vector.broadcast %add3A_190 : i32 to vector<16xi32>
        %add3A_192 = arith.addi %add3A_191, %iota3A : vector<16xi32>
        tpu.vector_store_idx %arg13[%add3A_192], %gather3A_186 : memref<4160xf32, #tpu.memory_space<vmem>>[vector<16xi32>], vector<16xf32>,
      }
      %scan3A_140 = arith.constant 64 : i32
      %scan3A_141 = arith.constant 0 : i32
      %scan3A_142 = arith.constant 4 : i32
      %scan3A_143 = arith.addi %scan3A_141, %scan3A_142 : i32
      %scan3A_144 = arith.constant 1 : i32
      scf.for %scan3A_146 = %scan3A_141 to %scan3A_143 step %scan3A_144  : i32 {
        %mul3A_147 = arith.constant 1 : i32
        %mul3A_148 = arith.muli %scan3A_146, %mul3A_147 : i32
        %add3A_149 = arith.constant 0 : i32
        %add3A_150 = arith.addi %add3A_149, %mul3A_148 : i32
        %mul3A_151 = arith.constant 16 : i32
        %mul3A_152 = arith.muli %add3A_150, %mul3A_151 : i32
        %add3A_153 = vector.broadcast %mul3A_152 : i32 to vector<16xi32>
        %add3A_154 = arith.addi %iota3A, %add3A_153 : vector<16xi32>
        %mul3A_155 = arith.constant 65 : i32
        %mul3A_156 = vector.broadcast %mul3A_155 : i32 to vector<16xi32>
        %mul3A_157 = arith.muli %add3A_154, %mul3A_156 : vector<16xi32>
        %broadcast_in_dim3A = arith.constant 0.000000e+00 : f32
        %broadcast_in_dim3A_158 = vector.broadcast %broadcast_in_dim3A : f32 to vector<16xf32>
        %scan3A_159 = arith.constant 0 : i32
        %scan3A_160 = arith.constant 26 : i32
        %scan3A_161 = arith.addi %scan3A_159, %scan3A_160 : i32
        %scan3A_162 = arith.constant 2 : i32
        %scan3A_163 = scf.for %scan3A_171 = %scan3A_159 to %scan3A_161 step %scan3A_162 iter_args(%scan3A_172 = %broadcast_in_dim3A_158) -> (vector<16xf32>)  : i32 {
          %mul3A_173 = arith.constant 1 : i32
          %mul3A_174 = arith.muli %scan3A_171, %mul3A_173 : i32
          %add3A_175 = arith.constant 0 : i32
          %add3A_176 = arith.addi %add3A_175, %mul3A_174 : i32
          %broadcast_in_dim3A_177 = arith.constant 0.000000e+00 : f32
          %broadcast_in_dim3A_178 = vector.broadcast %broadcast_in_dim3A_177 : f32 to vector<16xf32>
          %broadcast_in_dim3A_179 = arith.constant 0.000000e+00 : f32
          %broadcast_in_dim3A_180 = vector.broadcast %broadcast_in_dim3A_179 : f32 to vector<16xf32>
          %broadcast_in_dim3A_181 = arith.constant 0.000000e+00 : f32
          %broadcast_in_dim3A_182 = vector.broadcast %broadcast_in_dim3A_181 : f32 to vector<16xf32>
          %broadcast_in_dim3A_183 = arith.constant 0.000000e+00 : f32
          %broadcast_in_dim3A_184 = vector.broadcast %broadcast_in_dim3A_183 : f32 to vector<16xf32>
          %mul3A_185 = arith.constant 16 : i32
          %mul3A_186 = arith.muli %add3A_176, %mul3A_185 : i32
          %add3A_187 = vector.broadcast %mul3A_186 : i32 to vector<16xi32>
          %add3A_188 = arith.addi %and3A_7, %add3A_187 : vector<16xi32>
          %gather3A = tpu.vector_load_idx %arg10[%add3A_154, %add3A_188] : memref<64x416xf32, #tpu.memory_space<vmem>>[vector<16xi32>, vector<16xi32>], vector<16xf32>,
          %gather3A_189 = tpu.vector_load_idx %arg11[%add3A_154, %add3A_188] : memref<64x416xf32, #tpu.memory_space<vmem>>[vector<16xi32>, vector<16xi32>], vector<16xf32>,
          %mul3A_190 = arith.mulf %gather3A, %gather3A_189 : vector<16xf32>
          %add3A_191 = arith.addf %broadcast_in_dim3A_178, %mul3A_190 : vector<16xf32>
          %mul3A_192 = arith.constant 16 : i32
          %mul3A_193 = arith.muli %add3A_176, %mul3A_192 : i32
          %add3A_194 = vector.broadcast %mul3A_193 : i32 to vector<16xi32>
          %add3A_195 = arith.addi %and3A_13, %add3A_194 : vector<16xi32>
          %gather3A_196 = tpu.vector_load_idx %arg10[%add3A_154, %add3A_195] : memref<64x416xf32, #tpu.memory_space<vmem>>[vector<16xi32>, vector<16xi32>], vector<16xf32>,
          %gather3A_197 = tpu.vector_load_idx %arg11[%add3A_154, %add3A_195] : memref<64x416xf32, #tpu.memory_space<vmem>>[vector<16xi32>, vector<16xi32>], vector<16xf32>,
          %mul3A_198 = arith.mulf %gather3A_196, %gather3A_197 : vector<16xf32>
          %add3A_199 = arith.addf %broadcast_in_dim3A_180, %mul3A_198 : vector<16xf32>
          %mul3A_200 = arith.constant 16 : i32
          %mul3A_201 = arith.muli %add3A_176, %mul3A_200 : i32
          %add3A_202 = vector.broadcast %mul3A_201 : i32 to vector<16xi32>
          %add3A_203 = arith.addi %and3A_19, %add3A_202 : vector<16xi32>
          %gather3A_204 = tpu.vector_load_idx %arg10[%add3A_154, %add3A_203] : memref<64x416xf32, #tpu.memory_space<vmem>>[vector<16xi32>, vector<16xi32>], vector<16xf32>,
          %gather3A_205 = tpu.vector_load_idx %arg11[%add3A_154, %add3A_203] : memref<64x416xf32, #tpu.memory_space<vmem>>[vector<16xi32>, vector<16xi32>], vector<16xf32>,
          %mul3A_206 = arith.mulf %gather3A_204, %gather3A_205 : vector<16xf32>
          %add3A_207 = arith.addf %broadcast_in_dim3A_182, %mul3A_206 : vector<16xf32>
          %mul3A_208 = arith.constant 16 : i32
          %mul3A_209 = arith.muli %add3A_176, %mul3A_208 : i32
          %add3A_210 = vector.broadcast %mul3A_209 : i32 to vector<16xi32>
          %add3A_211 = arith.addi %and3A_25, %add3A_210 : vector<16xi32>
          %gather3A_212 = tpu.vector_load_idx %arg10[%add3A_154, %add3A_211] : memref<64x416xf32, #tpu.memory_space<vmem>>[vector<16xi32>, vector<16xi32>], vector<16xf32>,
          %gather3A_213 = tpu.vector_load_idx %arg11[%add3A_154, %add3A_211] : memref<64x416xf32, #tpu.memory_space<vmem>>[vector<16xi32>, vector<16xi32>], vector<16xf32>,
          %mul3A_214 = arith.mulf %gather3A_212, %gather3A_213 : vector<16xf32>
          %add3A_215 = arith.addf %broadcast_in_dim3A_184, %mul3A_214 : vector<16xf32>
          %mul3A_216 = arith.constant 16 : i32
          %mul3A_217 = arith.muli %add3A_176, %mul3A_216 : i32
          %add3A_218 = vector.broadcast %mul3A_217 : i32 to vector<16xi32>
          %add3A_219 = arith.addi %and3A_31, %add3A_218 : vector<16xi32>
          %gather3A_220 = tpu.vector_load_idx %arg10[%add3A_154, %add3A_219] : memref<64x416xf32, #tpu.memory_space<vmem>>[vector<16xi32>, vector<16xi32>], vector<16xf32>,
          %gather3A_221 = tpu.vector_load_idx %arg11[%add3A_154, %add3A_219] : memref<64x416xf32, #tpu.memory_space<vmem>>[vector<16xi32>, vector<16xi32>], vector<16xf32>,
          %mul3A_222 = arith.mulf %gather3A_220, %gather3A_221 : vector<16xf32>
          %add3A_223 = arith.addf %add3A_191, %mul3A_222 : vector<16xf32>
          %mul3A_224 = arith.constant 16 : i32
          %mul3A_225 = arith.muli %add3A_176, %mul3A_224 : i32
          %add3A_226 = vector.broadcast %mul3A_225 : i32 to vector<16xi32>
          %add3A_227 = arith.addi %and3A_37, %add3A_226 : vector<16xi32>
          %gather3A_228 = tpu.vector_load_idx %arg10[%add3A_154, %add3A_227] : memref<64x416xf32, #tpu.memory_space<vmem>>[vector<16xi32>, vector<16xi32>], vector<16xf32>,
          %gather3A_229 = tpu.vector_load_idx %arg11[%add3A_154, %add3A_227] : memref<64x416xf32, #tpu.memory_space<vmem>>[vector<16xi32>, vector<16xi32>], vector<16xf32>,
          %mul3A_230 = arith.mulf %gather3A_228, %gather3A_229 : vector<16xf32>
          %add3A_231 = arith.addf %add3A_199, %mul3A_230 : vector<16xf32>
          %mul3A_232 = arith.constant 16 : i32
          %mul3A_233 = arith.muli %add3A_176, %mul3A_232 : i32
          %add3A_234 = vector.broadcast %mul3A_233 : i32 to vector<16xi32>
          %add3A_235 = arith.addi %and3A_43, %add3A_234 : vector<16xi32>
          %gather3A_236 = tpu.vector_load_idx %arg10[%add3A_154, %add3A_235] : memref<64x416xf32, #tpu.memory_space<vmem>>[vector<16xi32>, vector<16xi32>], vector<16xf32>,
          %gather3A_237 = tpu.vector_load_idx %arg11[%add3A_154, %add3A_235] : memref<64x416xf32, #tpu.memory_space<vmem>>[vector<16xi32>, vector<16xi32>], vector<16xf32>,
          %mul3A_238 = arith.mulf %gather3A_236, %gather3A_237 : vector<16xf32>
          %add3A_239 = arith.addf %add3A_207, %mul3A_238 : vector<16xf32>
          %mul3A_240 = arith.constant 16 : i32
          %mul3A_241 = arith.muli %add3A_176, %mul3A_240 : i32
          %add3A_242 = vector.broadcast %mul3A_241 : i32 to vector<16xi32>
          %add3A_243 = arith.addi %and3A_49, %add3A_242 : vector<16xi32>
          %gather3A_244 = tpu.vector_load_idx %arg10[%add3A_154, %add3A_243] : memref<64x416xf32, #tpu.memory_space<vmem>>[vector<16xi32>, vector<16xi32>], vector<16xf32>,
          %gather3A_245 = tpu.vector_load_idx %arg11[%add3A_154, %add3A_243] : memref<64x416xf32, #tpu.memory_space<vmem>>[vector<16xi32>, vector<16xi32>], vector<16xf32>,
          %mul3A_246 = arith.mulf %gather3A_244, %gather3A_245 : vector<16xf32>
          %add3A_247 = arith.addf %add3A_215, %mul3A_246 : vector<16xf32>
          %mul3A_248 = arith.constant 16 : i32
          %mul3A_249 = arith.muli %add3A_176, %mul3A_248 : i32
          %add3A_250 = vector.broadcast %mul3A_249 : i32 to vector<16xi32>
          %add3A_251 = arith.addi %and3A_55, %add3A_250 : vector<16xi32>
          %gather3A_252 = tpu.vector_load_idx %arg10[%add3A_154, %add3A_251] : memref<64x416xf32, #tpu.memory_space<vmem>>[vector<16xi32>, vector<16xi32>], vector<16xf32>,
          %gather3A_253 = tpu.vector_load_idx %arg11[%add3A_154, %add3A_251] : memref<64x416xf32, #tpu.memory_space<vmem>>[vector<16xi32>, vector<16xi32>], vector<16xf32>,
          %mul3A_254 = arith.mulf %gather3A_252, %gather3A_253 : vector<16xf32>
          %add3A_255 = arith.addf %add3A_223, %mul3A_254 : vector<16xf32>
          %mul3A_256 = arith.constant 16 : i32
          %mul3A_257 = arith.muli %add3A_176, %mul3A_256 : i32
          %add3A_258 = vector.broadcast %mul3A_257 : i32 to vector<16xi32>
          %add3A_259 = arith.addi %and3A_61, %add3A_258 : vector<16xi32>
          %gather3A_260 = tpu.vector_load_idx %arg10[%add3A_154, %add3A_259] : memref<64x416xf32, #tpu.memory_space<vmem>>[vector<16xi32>, vector<16xi32>], vector<16xf32>,
          %gather3A_261 = tpu.vector_load_idx %arg11[%add3A_154, %add3A_259] : memref<64x416xf32, #tpu.memory_space<vmem>>[vector<16xi32>, vector<16xi32>], vector<16xf32>,
          %mul3A_262 = arith.mulf %gather3A_260, %gather3A_261 : vector<16xf32>
          %add3A_263 = arith.addf %add3A_231, %mul3A_262 : vector<16xf32>
          %mul3A_264 = arith.constant 16 : i32
          %mul3A_265 = arith.muli %add3A_176, %mul3A_264 : i32
          %add3A_266 = vector.broadcast %mul3A_265 : i32 to vector<16xi32>
          %add3A_267 = arith.addi %and3A_67, %add3A_266 : vector<16xi32>
          %gather3A_268 = tpu.vector_load_idx %arg10[%add3A_154, %add3A_267] : memref<64x416xf32, #tpu.memory_space<vmem>>[vector<16xi32>, vector<16xi32>], vector<16xf32>,
          %gather3A_269 = tpu.vector_load_idx %arg11[%add3A_154, %add3A_267] : memref<64x416xf32, #tpu.memory_space<vmem>>[vector<16xi32>, vector<16xi32>], vector<16xf32>,
          %mul3A_270 = arith.mulf %gather3A_268, %gather3A_269 : vector<16xf32>
          %add3A_271 = arith.addf %add3A_239, %mul3A_270 : vector<16xf32>
          %mul3A_272 = arith.constant 16 : i32
          %mul3A_273 = arith.muli %add3A_176, %mul3A_272 : i32
          %add3A_274 = vector.broadcast %mul3A_273 : i32 to vector<16xi32>
          %add3A_275 = arith.addi %and3A_73, %add3A_274 : vector<16xi32>
          %gather3A_276 = tpu.vector_load_idx %arg10[%add3A_154, %add3A_275] : memref<64x416xf32, #tpu.memory_space<vmem>>[vector<16xi32>, vector<16xi32>], vector<16xf32>,
          %gather3A_277 = tpu.vector_load_idx %arg11[%add3A_154, %add3A_275] : memref<64x416xf32, #tpu.memory_space<vmem>>[vector<16xi32>, vector<16xi32>], vector<16xf32>,
          %mul3A_278 = arith.mulf %gather3A_276, %gather3A_277 : vector<16xf32>
          %add3A_279 = arith.addf %add3A_247, %mul3A_278 : vector<16xf32>
          %mul3A_280 = arith.constant 16 : i32
          %mul3A_281 = arith.muli %add3A_176, %mul3A_280 : i32
          %add3A_282 = vector.broadcast %mul3A_281 : i32 to vector<16xi32>
          %add3A_283 = arith.addi %and3A_79, %add3A_282 : vector<16xi32>
          %gather3A_284 = tpu.vector_load_idx %arg10[%add3A_154, %add3A_283] : memref<64x416xf32, #tpu.memory_space<vmem>>[vector<16xi32>, vector<16xi32>], vector<16xf32>,
          %gather3A_285 = tpu.vector_load_idx %arg11[%add3A_154, %add3A_283] : memref<64x416xf32, #tpu.memory_space<vmem>>[vector<16xi32>, vector<16xi32>], vector<16xf32>,
          %mul3A_286 = arith.mulf %gather3A_284, %gather3A_285 : vector<16xf32>
          %add3A_287 = arith.addf %add3A_255, %mul3A_286 : vector<16xf32>
          %mul3A_288 = arith.constant 16 : i32
          %mul3A_289 = arith.muli %add3A_176, %mul3A_288 : i32
          %add3A_290 = vector.broadcast %mul3A_289 : i32 to vector<16xi32>
          %add3A_291 = arith.addi %and3A_85, %add3A_290 : vector<16xi32>
          %gather3A_292 = tpu.vector_load_idx %arg10[%add3A_154, %add3A_291] : memref<64x416xf32, #tpu.memory_space<vmem>>[vector<16xi32>, vector<16xi32>], vector<16xf32>,
          %gather3A_293 = tpu.vector_load_idx %arg11[%add3A_154, %add3A_291] : memref<64x416xf32, #tpu.memory_space<vmem>>[vector<16xi32>, vector<16xi32>], vector<16xf32>,
          %mul3A_294 = arith.mulf %gather3A_292, %gather3A_293 : vector<16xf32>
          %add3A_295 = arith.addf %add3A_263, %mul3A_294 : vector<16xf32>
          %mul3A_296 = arith.constant 16 : i32
          %mul3A_297 = arith.muli %add3A_176, %mul3A_296 : i32
          %add3A_298 = vector.broadcast %mul3A_297 : i32 to vector<16xi32>
          %add3A_299 = arith.addi %and3A_91, %add3A_298 : vector<16xi32>
          %gather3A_300 = tpu.vector_load_idx %arg10[%add3A_154, %add3A_299] : memref<64x416xf32, #tpu.memory_space<vmem>>[vector<16xi32>, vector<16xi32>], vector<16xf32>,
          %gather3A_301 = tpu.vector_load_idx %arg11[%add3A_154, %add3A_299] : memref<64x416xf32, #tpu.memory_space<vmem>>[vector<16xi32>, vector<16xi32>], vector<16xf32>,
          %mul3A_302 = arith.mulf %gather3A_300, %gather3A_301 : vector<16xf32>
          %add3A_303 = arith.addf %add3A_271, %mul3A_302 : vector<16xf32>
          %mul3A_304 = arith.constant 16 : i32
          %mul3A_305 = arith.muli %add3A_176, %mul3A_304 : i32
          %add3A_306 = vector.broadcast %mul3A_305 : i32 to vector<16xi32>
          %add3A_307 = arith.addi %and3A_97, %add3A_306 : vector<16xi32>
          %gather3A_308 = tpu.vector_load_idx %arg10[%add3A_154, %add3A_307] : memref<64x416xf32, #tpu.memory_space<vmem>>[vector<16xi32>, vector<16xi32>], vector<16xf32>,
          %gather3A_309 = tpu.vector_load_idx %arg11[%add3A_154, %add3A_307] : memref<64x416xf32, #tpu.memory_space<vmem>>[vector<16xi32>, vector<16xi32>], vector<16xf32>,
          %mul3A_310 = arith.mulf %gather3A_308, %gather3A_309 : vector<16xf32>
          %add3A_311 = arith.addf %add3A_279, %mul3A_310 : vector<16xf32>
          %add3A_312 = arith.addf %add3A_287, %add3A_295 : vector<16xf32>
          %add3A_313 = arith.addf %add3A_303, %add3A_311 : vector<16xf32>
          %add3A_314 = arith.addf %add3A_312, %add3A_313 : vector<16xf32>
          %add3A_315 = vector.broadcast %add3A_176 : i32 to vector<16xi32>
          %add3A_316 = arith.addi %mul3A_157, %add3A_315 : vector<16xi32>
          %gather3A_317 = tpu.vector_load_idx %arg13[%add3A_316] : memref<4160xf32, #tpu.memory_space<vmem>>[vector<16xi32>], vector<16xf32>,
          %add3A_318 = arith.addf %add3A_314, %gather3A_317 : vector<16xf32>
          %neg3A = arith.constant 0.000000e+00 : f32
          %neg3A_319 = vector.broadcast %neg3A : f32 to vector<16xf32>
          %neg3A_320 = arith.subf %neg3A_319, %add3A_318 : vector<16xf32>
          %exp3A = math.exp %neg3A_320 : vector<16xf32>
          %add3A_321 = arith.constant 1.000000e+00 : f32
          %add3A_322 = vector.broadcast %add3A_321 : f32 to vector<16xf32>
          %add3A_323 = arith.addf %add3A_322, %exp3A : vector<16xf32>
          %div3A = arith.constant 1.000000e+00 : f32
          %div3A_324 = vector.broadcast %div3A : f32 to vector<16xf32>
          %div3A_325 = arith.divf %div3A_324, %add3A_323 : vector<16xf32>
          %add3A_326 = arith.constant 32 : i32
          %add3A_327 = arith.addi %add3A_326, %add3A_176 : i32
          %add3A_328 = vector.broadcast %add3A_327 : i32 to vector<16xi32>
          %add3A_329 = arith.addi %mul3A_157, %add3A_328 : vector<16xi32>
          %gather3A_330 = tpu.vector_load_idx %arg13[%add3A_329] : memref<4160xf32, #tpu.memory_space<vmem>>[vector<16xi32>], vector<16xf32>,
          %mul3A_331 = arith.mulf %div3A_325, %gather3A_330 : vector<16xf32>
          %add3A_332 = arith.addf %scan3A_172, %mul3A_331 : vector<16xf32>
          %scan3A_333 = arith.constant 1 : i32
          %scan3A_334 = arith.addi %scan3A_171, %scan3A_333 : i32
          %mul3A_335 = arith.constant 1 : i32
          %mul3A_336 = arith.muli %scan3A_334, %mul3A_335 : i32
          %add3A_337 = arith.constant 0 : i32
          %add3A_338 = arith.addi %add3A_337, %mul3A_336 : i32
          %broadcast_in_dim3A_339 = arith.constant 0.000000e+00 : f32
          %broadcast_in_dim3A_340 = vector.broadcast %broadcast_in_dim3A_339 : f32 to vector<16xf32>
          %broadcast_in_dim3A_341 = arith.constant 0.000000e+00 : f32
          %broadcast_in_dim3A_342 = vector.broadcast %broadcast_in_dim3A_341 : f32 to vector<16xf32>
          %broadcast_in_dim3A_343 = arith.constant 0.000000e+00 : f32
          %broadcast_in_dim3A_344 = vector.broadcast %broadcast_in_dim3A_343 : f32 to vector<16xf32>
          %broadcast_in_dim3A_345 = arith.constant 0.000000e+00 : f32
          %broadcast_in_dim3A_346 = vector.broadcast %broadcast_in_dim3A_345 : f32 to vector<16xf32>
          %mul3A_347 = arith.constant 16 : i32
          %mul3A_348 = arith.muli %add3A_338, %mul3A_347 : i32
          %add3A_349 = vector.broadcast %mul3A_348 : i32 to vector<16xi32>
          %add3A_350 = arith.addi %and3A_7, %add3A_349 : vector<16xi32>
          %gather3A_351 = tpu.vector_load_idx %arg10[%add3A_154, %add3A_350] : memref<64x416xf32, #tpu.memory_space<vmem>>[vector<16xi32>, vector<16xi32>], vector<16xf32>,
          %gather3A_352 = tpu.vector_load_idx %arg11[%add3A_154, %add3A_350] : memref<64x416xf32, #tpu.memory_space<vmem>>[vector<16xi32>, vector<16xi32>], vector<16xf32>,
          %mul3A_353 = arith.mulf %gather3A_351, %gather3A_352 : vector<16xf32>
          %add3A_354 = arith.addf %broadcast_in_dim3A_340, %mul3A_353 : vector<16xf32>
          %mul3A_355 = arith.constant 16 : i32
          %mul3A_356 = arith.muli %add3A_338, %mul3A_355 : i32
          %add3A_357 = vector.broadcast %mul3A_356 : i32 to vector<16xi32>
          %add3A_358 = arith.addi %and3A_13, %add3A_357 : vector<16xi32>
          %gather3A_359 = tpu.vector_load_idx %arg10[%add3A_154, %add3A_358] : memref<64x416xf32, #tpu.memory_space<vmem>>[vector<16xi32>, vector<16xi32>], vector<16xf32>,
          %gather3A_360 = tpu.vector_load_idx %arg11[%add3A_154, %add3A_358] : memref<64x416xf32, #tpu.memory_space<vmem>>[vector<16xi32>, vector<16xi32>], vector<16xf32>,
          %mul3A_361 = arith.mulf %gather3A_359, %gather3A_360 : vector<16xf32>
          %add3A_362 = arith.addf %broadcast_in_dim3A_342, %mul3A_361 : vector<16xf32>
          %mul3A_363 = arith.constant 16 : i32
          %mul3A_364 = arith.muli %add3A_338, %mul3A_363 : i32
          %add3A_365 = vector.broadcast %mul3A_364 : i32 to vector<16xi32>
          %add3A_366 = arith.addi %and3A_19, %add3A_365 : vector<16xi32>
          %gather3A_367 = tpu.vector_load_idx %arg10[%add3A_154, %add3A_366] : memref<64x416xf32, #tpu.memory_space<vmem>>[vector<16xi32>, vector<16xi32>], vector<16xf32>,
          %gather3A_368 = tpu.vector_load_idx %arg11[%add3A_154, %add3A_366] : memref<64x416xf32, #tpu.memory_space<vmem>>[vector<16xi32>, vector<16xi32>], vector<16xf32>,
          %mul3A_369 = arith.mulf %gather3A_367, %gather3A_368 : vector<16xf32>
          %add3A_370 = arith.addf %broadcast_in_dim3A_344, %mul3A_369 : vector<16xf32>
          %mul3A_371 = arith.constant 16 : i32
          %mul3A_372 = arith.muli %add3A_338, %mul3A_371 : i32
          %add3A_373 = vector.broadcast %mul3A_372 : i32 to vector<16xi32>
          %add3A_374 = arith.addi %and3A_25, %add3A_373 : vector<16xi32>
          %gather3A_375 = tpu.vector_load_idx %arg10[%add3A_154, %add3A_374] : memref<64x416xf32, #tpu.memory_space<vmem>>[vector<16xi32>, vector<16xi32>], vector<16xf32>,
          %gather3A_376 = tpu.vector_load_idx %arg11[%add3A_154, %add3A_374] : memref<64x416xf32, #tpu.memory_space<vmem>>[vector<16xi32>, vector<16xi32>], vector<16xf32>,
          %mul3A_377 = arith.mulf %gather3A_375, %gather3A_376 : vector<16xf32>
          %add3A_378 = arith.addf %broadcast_in_dim3A_346, %mul3A_377 : vector<16xf32>
          %mul3A_379 = arith.constant 16 : i32
          %mul3A_380 = arith.muli %add3A_338, %mul3A_379 : i32
          %add3A_381 = vector.broadcast %mul3A_380 : i32 to vector<16xi32>
          %add3A_382 = arith.addi %and3A_31, %add3A_381 : vector<16xi32>
          %gather3A_383 = tpu.vector_load_idx %arg10[%add3A_154, %add3A_382] : memref<64x416xf32, #tpu.memory_space<vmem>>[vector<16xi32>, vector<16xi32>], vector<16xf32>,
          %gather3A_384 = tpu.vector_load_idx %arg11[%add3A_154, %add3A_382] : memref<64x416xf32, #tpu.memory_space<vmem>>[vector<16xi32>, vector<16xi32>], vector<16xf32>,
          %mul3A_385 = arith.mulf %gather3A_383, %gather3A_384 : vector<16xf32>
          %add3A_386 = arith.addf %add3A_354, %mul3A_385 : vector<16xf32>
          %mul3A_387 = arith.constant 16 : i32
          %mul3A_388 = arith.muli %add3A_338, %mul3A_387 : i32
          %add3A_389 = vector.broadcast %mul3A_388 : i32 to vector<16xi32>
          %add3A_390 = arith.addi %and3A_37, %add3A_389 : vector<16xi32>
          %gather3A_391 = tpu.vector_load_idx %arg10[%add3A_154, %add3A_390] : memref<64x416xf32, #tpu.memory_space<vmem>>[vector<16xi32>, vector<16xi32>], vector<16xf32>,
          %gather3A_392 = tpu.vector_load_idx %arg11[%add3A_154, %add3A_390] : memref<64x416xf32, #tpu.memory_space<vmem>>[vector<16xi32>, vector<16xi32>], vector<16xf32>,
          %mul3A_393 = arith.mulf %gather3A_391, %gather3A_392 : vector<16xf32>
          %add3A_394 = arith.addf %add3A_362, %mul3A_393 : vector<16xf32>
          %mul3A_395 = arith.constant 16 : i32
          %mul3A_396 = arith.muli %add3A_338, %mul3A_395 : i32
          %add3A_397 = vector.broadcast %mul3A_396 : i32 to vector<16xi32>
          %add3A_398 = arith.addi %and3A_43, %add3A_397 : vector<16xi32>
          %gather3A_399 = tpu.vector_load_idx %arg10[%add3A_154, %add3A_398] : memref<64x416xf32, #tpu.memory_space<vmem>>[vector<16xi32>, vector<16xi32>], vector<16xf32>,
          %gather3A_400 = tpu.vector_load_idx %arg11[%add3A_154, %add3A_398] : memref<64x416xf32, #tpu.memory_space<vmem>>[vector<16xi32>, vector<16xi32>], vector<16xf32>,
          %mul3A_401 = arith.mulf %gather3A_399, %gather3A_400 : vector<16xf32>
          %add3A_402 = arith.addf %add3A_370, %mul3A_401 : vector<16xf32>
          %mul3A_403 = arith.constant 16 : i32
          %mul3A_404 = arith.muli %add3A_338, %mul3A_403 : i32
          %add3A_405 = vector.broadcast %mul3A_404 : i32 to vector<16xi32>
          %add3A_406 = arith.addi %and3A_49, %add3A_405 : vector<16xi32>
          %gather3A_407 = tpu.vector_load_idx %arg10[%add3A_154, %add3A_406] : memref<64x416xf32, #tpu.memory_space<vmem>>[vector<16xi32>, vector<16xi32>], vector<16xf32>,
          %gather3A_408 = tpu.vector_load_idx %arg11[%add3A_154, %add3A_406] : memref<64x416xf32, #tpu.memory_space<vmem>>[vector<16xi32>, vector<16xi32>], vector<16xf32>,
          %mul3A_409 = arith.mulf %gather3A_407, %gather3A_408 : vector<16xf32>
          %add3A_410 = arith.addf %add3A_378, %mul3A_409 : vector<16xf32>
          %mul3A_411 = arith.constant 16 : i32
          %mul3A_412 = arith.muli %add3A_338, %mul3A_411 : i32
          %add3A_413 = vector.broadcast %mul3A_412 : i32 to vector<16xi32>
          %add3A_414 = arith.addi %and3A_55, %add3A_413 : vector<16xi32>
          %gather3A_415 = tpu.vector_load_idx %arg10[%add3A_154, %add3A_414] : memref<64x416xf32, #tpu.memory_space<vmem>>[vector<16xi32>, vector<16xi32>], vector<16xf32>,
          %gather3A_416 = tpu.vector_load_idx %arg11[%add3A_154, %add3A_414] : memref<64x416xf32, #tpu.memory_space<vmem>>[vector<16xi32>, vector<16xi32>], vector<16xf32>,
          %mul3A_417 = arith.mulf %gather3A_415, %gather3A_416 : vector<16xf32>
          %add3A_418 = arith.addf %add3A_386, %mul3A_417 : vector<16xf32>
          %mul3A_419 = arith.constant 16 : i32
          %mul3A_420 = arith.muli %add3A_338, %mul3A_419 : i32
          %add3A_421 = vector.broadcast %mul3A_420 : i32 to vector<16xi32>
          %add3A_422 = arith.addi %and3A_61, %add3A_421 : vector<16xi32>
          %gather3A_423 = tpu.vector_load_idx %arg10[%add3A_154, %add3A_422] : memref<64x416xf32, #tpu.memory_space<vmem>>[vector<16xi32>, vector<16xi32>], vector<16xf32>,
          %gather3A_424 = tpu.vector_load_idx %arg11[%add3A_154, %add3A_422] : memref<64x416xf32, #tpu.memory_space<vmem>>[vector<16xi32>, vector<16xi32>], vector<16xf32>,
          %mul3A_425 = arith.mulf %gather3A_423, %gather3A_424 : vector<16xf32>
          %add3A_426 = arith.addf %add3A_394, %mul3A_425 : vector<16xf32>
          %mul3A_427 = arith.constant 16 : i32
          %mul3A_428 = arith.muli %add3A_338, %mul3A_427 : i32
          %add3A_429 = vector.broadcast %mul3A_428 : i32 to vector<16xi32>
          %add3A_430 = arith.addi %and3A_67, %add3A_429 : vector<16xi32>
          %gather3A_431 = tpu.vector_load_idx %arg10[%add3A_154, %add3A_430] : memref<64x416xf32, #tpu.memory_space<vmem>>[vector<16xi32>, vector<16xi32>], vector<16xf32>,
          %gather3A_432 = tpu.vector_load_idx %arg11[%add3A_154, %add3A_430] : memref<64x416xf32, #tpu.memory_space<vmem>>[vector<16xi32>, vector<16xi32>], vector<16xf32>,
          %mul3A_433 = arith.mulf %gather3A_431, %gather3A_432 : vector<16xf32>
          %add3A_434 = arith.addf %add3A_402, %mul3A_433 : vector<16xf32>
          %mul3A_435 = arith.constant 16 : i32
          %mul3A_436 = arith.muli %add3A_338, %mul3A_435 : i32
          %add3A_437 = vector.broadcast %mul3A_436 : i32 to vector<16xi32>
          %add3A_438 = arith.addi %and3A_73, %add3A_437 : vector<16xi32>
          %gather3A_439 = tpu.vector_load_idx %arg10[%add3A_154, %add3A_438] : memref<64x416xf32, #tpu.memory_space<vmem>>[vector<16xi32>, vector<16xi32>], vector<16xf32>,
          %gather3A_440 = tpu.vector_load_idx %arg11[%add3A_154, %add3A_438] : memref<64x416xf32, #tpu.memory_space<vmem>>[vector<16xi32>, vector<16xi32>], vector<16xf32>,
          %mul3A_441 = arith.mulf %gather3A_439, %gather3A_440 : vector<16xf32>
          %add3A_442 = arith.addf %add3A_410, %mul3A_441 : vector<16xf32>
          %mul3A_443 = arith.constant 16 : i32
          %mul3A_444 = arith.muli %add3A_338, %mul3A_443 : i32
          %add3A_445 = vector.broadcast %mul3A_444 : i32 to vector<16xi32>
          %add3A_446 = arith.addi %and3A_79, %add3A_445 : vector<16xi32>
          %gather3A_447 = tpu.vector_load_idx %arg10[%add3A_154, %add3A_446] : memref<64x416xf32, #tpu.memory_space<vmem>>[vector<16xi32>, vector<16xi32>], vector<16xf32>,
          %gather3A_448 = tpu.vector_load_idx %arg11[%add3A_154, %add3A_446] : memref<64x416xf32, #tpu.memory_space<vmem>>[vector<16xi32>, vector<16xi32>], vector<16xf32>,
          %mul3A_449 = arith.mulf %gather3A_447, %gather3A_448 : vector<16xf32>
          %add3A_450 = arith.addf %add3A_418, %mul3A_449 : vector<16xf32>
          %mul3A_451 = arith.constant 16 : i32
          %mul3A_452 = arith.muli %add3A_338, %mul3A_451 : i32
          %add3A_453 = vector.broadcast %mul3A_452 : i32 to vector<16xi32>
          %add3A_454 = arith.addi %and3A_85, %add3A_453 : vector<16xi32>
          %gather3A_455 = tpu.vector_load_idx %arg10[%add3A_154, %add3A_454] : memref<64x416xf32, #tpu.memory_space<vmem>>[vector<16xi32>, vector<16xi32>], vector<16xf32>,
          %gather3A_456 = tpu.vector_load_idx %arg11[%add3A_154, %add3A_454] : memref<64x416xf32, #tpu.memory_space<vmem>>[vector<16xi32>, vector<16xi32>], vector<16xf32>,
          %mul3A_457 = arith.mulf %gather3A_455, %gather3A_456 : vector<16xf32>
          %add3A_458 = arith.addf %add3A_426, %mul3A_457 : vector<16xf32>
          %mul3A_459 = arith.constant 16 : i32
          %mul3A_460 = arith.muli %add3A_338, %mul3A_459 : i32
          %add3A_461 = vector.broadcast %mul3A_460 : i32 to vector<16xi32>
          %add3A_462 = arith.addi %and3A_91, %add3A_461 : vector<16xi32>
          %gather3A_463 = tpu.vector_load_idx %arg10[%add3A_154, %add3A_462] : memref<64x416xf32, #tpu.memory_space<vmem>>[vector<16xi32>, vector<16xi32>], vector<16xf32>,
          %gather3A_464 = tpu.vector_load_idx %arg11[%add3A_154, %add3A_462] : memref<64x416xf32, #tpu.memory_space<vmem>>[vector<16xi32>, vector<16xi32>], vector<16xf32>,
          %mul3A_465 = arith.mulf %gather3A_463, %gather3A_464 : vector<16xf32>
          %add3A_466 = arith.addf %add3A_434, %mul3A_465 : vector<16xf32>
          %mul3A_467 = arith.constant 16 : i32
          %mul3A_468 = arith.muli %add3A_338, %mul3A_467 : i32
          %add3A_469 = vector.broadcast %mul3A_468 : i32 to vector<16xi32>
          %add3A_470 = arith.addi %and3A_97, %add3A_469 : vector<16xi32>
          %gather3A_471 = tpu.vector_load_idx %arg10[%add3A_154, %add3A_470] : memref<64x416xf32, #tpu.memory_space<vmem>>[vector<16xi32>, vector<16xi32>], vector<16xf32>,
          %gather3A_472 = tpu.vector_load_idx %arg11[%add3A_154, %add3A_470] : memref<64x416xf32, #tpu.memory_space<vmem>>[vector<16xi32>, vector<16xi32>], vector<16xf32>,
          %mul3A_473 = arith.mulf %gather3A_471, %gather3A_472 : vector<16xf32>
          %add3A_474 = arith.addf %add3A_442, %mul3A_473 : vector<16xf32>
          %add3A_475 = arith.addf %add3A_450, %add3A_458 : vector<16xf32>
          %add3A_476 = arith.addf %add3A_466, %add3A_474 : vector<16xf32>
          %add3A_477 = arith.addf %add3A_475, %add3A_476 : vector<16xf32>
          %add3A_478 = vector.broadcast %add3A_338 : i32 to vector<16xi32>
          %add3A_479 = arith.addi %mul3A_157, %add3A_478 : vector<16xi32>
          %gather3A_480 = tpu.vector_load_idx %arg13[%add3A_479] : memref<4160xf32, #tpu.memory_space<vmem>>[vector<16xi32>], vector<16xf32>,
          %add3A_481 = arith.addf %add3A_477, %gather3A_480 : vector<16xf32>
          %neg3A_482 = arith.constant 0.000000e+00 : f32
          %neg3A_483 = vector.broadcast %neg3A_482 : f32 to vector<16xf32>
          %neg3A_484 = arith.subf %neg3A_483, %add3A_481 : vector<16xf32>
          %exp3A_485 = math.exp %neg3A_484 : vector<16xf32>
          %add3A_486 = arith.constant 1.000000e+00 : f32
          %add3A_487 = vector.broadcast %add3A_486 : f32 to vector<16xf32>
          %add3A_488 = arith.addf %add3A_487, %exp3A_485 : vector<16xf32>
          %div3A_489 = arith.constant 1.000000e+00 : f32
          %div3A_490 = vector.broadcast %div3A_489 : f32 to vector<16xf32>
          %div3A_491 = arith.divf %div3A_490, %add3A_488 : vector<16xf32>
          %add3A_492 = arith.constant 32 : i32
          %add3A_493 = arith.addi %add3A_492, %add3A_338 : i32
          %add3A_494 = vector.broadcast %add3A_493 : i32 to vector<16xi32>
          %add3A_495 = arith.addi %mul3A_157, %add3A_494 : vector<16xi32>
          %gather3A_496 = tpu.vector_load_idx %arg13[%add3A_495] : memref<4160xf32, #tpu.memory_space<vmem>>[vector<16xi32>], vector<16xf32>,
          %mul3A_497 = arith.mulf %div3A_491, %gather3A_496 : vector<16xf32>
          %add3A_498 = arith.addf %add3A_332, %mul3A_497 : vector<16xf32>
          scf.yield %add3A_498 : vector<16xf32>
        }
        %scan3A_164 = arith.constant 26 : i32
        %mul3A_165 = arith.constant 64 : i32
        %mul3A_166 = arith.muli %add3A_106, %mul3A_165 : i32
        %mul3A_167 = arith.constant 16 : i32
        %mul3A_168 = arith.muli %add3A_150, %mul3A_167 : i32
        %add3A_169 = arith.addi %mul3A_166, %mul3A_168 : i32
        %swap3A = arith.index_cast %add3A_169 : i32 to index
        %swap3A_170 = tpu.vector_load %arg14[%swap3A] {strides = array<i32>} : memref<512xf32, #tpu.memory_space<vmem>>, vector<16xf32>,
        tpu.vector_store %arg14[%swap3A], %scan3A_163 {strides = array<i32>} : memref<512xf32, #tpu.memory_space<vmem>>, vector<16xf32>,
      }
      %scan3A_145 = arith.constant 4 : i32
    }
    %scan3A_101 = arith.constant 8 : i32
    "tpu.region"() ({
      %run_scoped3A = tpu.sem_alloc : memref<!tpu.dma_semaphore, #tpu.memory_space<semaphore_mem>>
      %dma_start3A = tpu.memref_slice %arg7[%mul3A_2] : memref<16384xf32, #tpu.memory_space<hbm>> -> memref<512xf32, #tpu.memory_space<hbm>>
      %dma_start3A_102 = tpu.memref_slice %arg7[%mul3A_2] : memref<16384xf32, #tpu.memory_space<hbm>> -> memref<512xf32, #tpu.memory_space<hbm>>
      tpu.enqueue_dma source(%arg14 : memref<512xf32, #tpu.memory_space<vmem>>) target(%dma_start3A_102 : memref<512xf32, #tpu.memory_space<hbm>>) target_semaphore(%run_scoped3A : memref<!tpu.dma_semaphore, #tpu.memory_space<semaphore_mem>>)
      %dma_wait3A = tpu.memref_slice %arg7[%mul3A_2] : memref<16384xf32, #tpu.memory_space<hbm>> -> memref<512xf32, #tpu.memory_space<hbm>>
      %dma_wait3A_103 = tpu.memref_slice %arg7[%mul3A_2] : memref<16384xf32, #tpu.memory_space<hbm>> -> memref<512xf32, #tpu.memory_space<hbm>>
      tpu.wait_dma2 semaphore(%run_scoped3A : memref<!tpu.dma_semaphore, #tpu.memory_space<semaphore_mem>>) src(%arg14 : memref<512xf32, #tpu.memory_space<vmem>>) dst(%dma_wait3A_103 : memref<512xf32, #tpu.memory_space<hbm>>)
      tpu.yield
    }) : () -> ()
    return
  }
}

</mosaic_0001>

<sc_bundles>
// kernel: _run.3.cloned.1.call-start
scs
__scs_entry_jumppad:
0x0: {  	(pc) =	sbr.rel $0x88, $3  }
0x1: {  	(tag) =	ssettag $0x0;
	lr =	simm.s32 $0x1  }
0x2: {  	[smem:$0x3F9C] =	sst lr;
	_ =	strace $0xD0000000  }
0x3: {  	_ = 	snop  }
0x4: {  	_ = 	snop  }
0x5: {  	_ = 	snop  }
0x6: {  	_ = 	snop  }
0x7: {  	_ = 	snop  }
__scs_overlays_trampoline_lowered:
0x8: {  	[smem:$0x3FAB] =	sst s0  }
0x9: {  	[smem:$0x3FAC] =	sst s1  }
0xa: {  	[smem:$0x3FAD] =	sst s2  }
0xb: {  	[smem:$0x3FAE] =	sst s3  }
0xc: {  	[smem:$0x3FAF] =	sst s4  }
0xd: {  	[smem:$0x3FB0] =	sst s5  }
0xe: {  	[smem:$0x3FB1] =	sst s6  }
0xf: {  	[smem:$0x3FB2] =	sst s7  }
0x10: {  	[smem:$0x3FB3] =	sst s8  }
0x11: {  	[smem:$0x3FB4] =	sst s9;
	s0 =	simm.s32 @!p0 $0x0  }
0x12: {  	s1 =	sld [smem:$0x3F9A];
	s0 =	simm.s32 @p0 $0x1  }
0x13: {  	[smem:$0x3FB5] =	sst s0;
	s0 =	simm.s32 @!p1 $0x0  }
0x14: {  	s2 =	sld [smem:$0x3F99];
	s0 =	simm.s32 @p1 $0x1  }
0x15: {  	[smem:$0x3FB6] =	sst s0;
	s0 =	simm.s32 @!p2 $0x0  }
0x16: {  	s3 =	sld [smem:$0x3FDB];
	s0 =	simm.s32 @p2 $0x1  }
0x17: {  	s4 =	simm.s32 $0x1BF5;
	[smem:$0x3FB8] =	sst s0  }
0x18: {  	s0 =	sld [smem:$0x3F9B];
	_ =	swait.ge [sflag:s4], $0x0  }
0x19: {  	s7 =	sld [smem:$0x3F9C]  }
0x1a: {  	s8 =	sadd.s32 $0xFFFFE003, lr  }
0x1b: {  	s9 =	sadd.s32 $0xFFFFFEF7, lr;
	s5 =	simm.s32 $0xFFFFFFFF;
	p2 =	slt.u32 s8, $0xFFFFF086  }
0x1c: {  	p1 =	slt.u32 s9, $0xF7A;
	s5 =	simm.s32 @!p2 $0x0  }
0x1d: {  	s5 =	simm.s32 @p1 $0x1;
	p0 =	seq.s32 s7, s2  }
0x1e: {  	s7 =	smul.u32 @!p0 $0xF7A, s2;
	p2 =	seq.s32 @!p0 s5, $0x0  }
0x1f: {  	s9 =	smul.u32 $0xF7A, s1;
	s8 =	simm.s32 @!p0 $0x1BF5;
	p2 =	por !p2, p0  }
0x20: {  	[sflag:s8] =	ssyncset.s32 @!p0 $0xFFFFF086;
	s6 =	sadd.s32 @!p0 s3, s7;
	s7 =	simm.s32 @!p0 $0x108  }
0x21: {  	s3 =	sadd.s32 s3, s9;
	s6 =	sadd.s32 @!p0 $0x88, s6;
	s7 =	simm.s32 @p2 $0x1082  }
0x22: {  	[simem:s7], [sflag:s8] =	dma.local @!p0 [hbm:s6], $0xF7A  }
0x23: {  	s9 =	sor.u32 $0xD0000000, s2;
	s6 =	simm.s32 $0x108;
	_ =	swait.ge @!p0 [sflag:s8], $0x0  }
0x24: {  	s3 =	sadd.s32 $0x88, s3;
	s6 =	simm.s32 @!p1 $0x1082;
	[sflag:s4] =	ssyncset.s32 $0xFFFFF086  }
0x25: {  	[simem:s6], [sflag:s4] =	dma.local [hbm:s3], $0xF7A  }
0x26: {  	[smem:$0x3F9C] =	sst s1;
	(tag) =	ssettag s2;
	_ =	strace s9  }
0x27: {  	s1 =	sld [smem:$0x3FAC]  }
0x28: {  	s2 =	sld [smem:$0x3FAD]  }
0x29: {  	s4 =	sld [smem:$0x3FAF]  }
0x2a: {  	p0 =	seq.s32 s5, $0x0;
	s5 =	sld [smem:$0x3FB0]  }
0x2b: {  	s6 =	sld [smem:$0x3FB1]  }
0x2c: {  	s7 =	sld [smem:$0x3FB2]  }
0x2d: {  	s3 =	simm.s32 $0x108;
	s8 =	sld [smem:$0x3FB3]  }
0x2e: {  	s3 =	simm.s32 @!p0 $0x1082;
	s9 =	sld [smem:$0x3FB4]  }
0x2f: {  	lr =	sadd.s32 s0, s3;
	s0 =	sld [smem:$0x3FAB]  }
0x30: {  	s3 =	sld [smem:$0x3FAE]  }
0x31: {  	[smem:$0x3FB7] =	sst s10  }
0x32: {  	s10 =	sld [smem:$0x3FB5];
	_ =	sdelay $0x3  }
0x33: {  	p0 =	seq.s32 s10, $0x1;
	s10 =	sld [smem:$0x3FB7];
	_ =	sdelay $0x3  }
0x34: {  	[smem:$0x3FB7] =	sst s10  }
0x35: {  	s10 =	sld [smem:$0x3FB6];
	_ =	sdelay $0x3  }
0x36: {  	p1 =	seq.s32 s10, $0x1;
	s10 =	sld [smem:$0x3FB7];
	_ =	sdelay $0x3  }
0x37: {  	[smem:$0x3FB7] =	sst s10  }
0x38: {  	s10 =	sld [smem:$0x3FB8]  }
0x39: {  	_ = 	snop;
	(pc) =	sbr.ind lr, $3  }
0x3a: {  	_ = 	snop  }
0x3b: {  	_ = 	snop  }
0x3c: {  	p2 =	seq.s32 s10, $0x1;
	s10 =	sld [smem:$0x3FB7]  }
0x3d: {  	_ =	shalt  }
0x3e: {  	_ =	shalt  }
0x3f: {  	_ =	shalt  }
0x40: {  	_ =	shalt  }
0x41: {  	_ =	shalt  }
0x42: {  	_ =	shalt  }
0x43: {  	_ =	shalt  }
0x44: {  	_ =	shalt  }
0x45: {  	_ =	shalt  }
0x46: {  	_ =	shalt  }
0x47: {  	_ =	shalt  }
0x48: {  	_ =	shalt  }
0x49: {  	_ =	shalt  }
0x4a: {  	_ =	shalt  }
0x4b: {  	_ =	shalt  }
0x4c: {  	_ =	shalt  }
0x4d: {  	_ =	shalt  }
0x4e: {  	_ =	shalt  }
0x4f: {  	_ =	shalt  }
0x50: {  	_ =	shalt  }
0x51: {  	_ =	shalt  }
0x52: {  	_ =	shalt  }
0x53: {  	_ =	shalt  }
0x54: {  	_ =	shalt  }
0x55: {  	_ =	shalt  }
0x56: {  	_ =	shalt  }
0x57: {  	_ =	shalt  }
0x58: {  	_ =	shalt  }
0x59: {  	_ =	shalt  }
0x5a: {  	_ =	shalt  }
0x5b: {  	_ =	shalt  }
0x5c: {  	_ =	shalt  }
0x5d: {  	_ =	shalt  }
0x5e: {  	_ =	shalt  }
0x5f: {  	_ =	shalt  }
0x60: {  	_ =	shalt  }
0x61: {  	_ =	shalt  }
0x62: {  	_ =	shalt  }
0x63: {  	_ =	shalt  }
0x64: {  	_ =	shalt  }
0x65: {  	_ =	shalt  }
0x66: {  	_ =	shalt  }
0x67: {  	_ =	shalt  }
0x68: {  	_ =	shalt  }
0x69: {  	_ =	shalt  }
0x6a: {  	_ =	shalt  }
0x6b: {  	_ =	shalt  }
0x6c: {  	_ =	shalt  }
0x6d: {  	_ =	shalt  }
0x6e: {  	_ =	shalt  }
0x6f: {  	_ =	shalt  }
0x70: {  	_ =	shalt  }
0x71: {  	_ =	shalt  }
0x72: {  	_ =	shalt  }
0x73: {  	_ =	shalt  }
0x74: {  	_ =	shalt  }
0x75: {  	_ =	shalt  }
0x76: {  	_ =	shalt  }
0x77: {  	_ =	shalt  }
0x78: {  	_ =	shalt  }
0x79: {  	_ =	shalt  }
0x7a: {  	_ =	shalt  }
0x7b: {  	_ =	shalt  }
0x7c: {  	_ =	shalt  }
0x7d: {  	_ =	shalt  }
0x7e: {  	_ =	shalt  }
0x7f: {  	_ =	shalt  }
0x80: {  	_ =	shalt  }
0x81: {  	_ =	shalt  }
0x82: {  	_ =	shalt  }
0x83: {  	_ =	shalt  }
0x84: {  	_ =	shalt  }
0x85: {  	_ =	shalt  }
0x86: {  	_ =	shalt  }
0x87: {  	_ =	shalt  }
.Lfunc_end0:
.L_simem_size_0:
called_computation_lowered:
.L_overlay_start_0:
0x88: {  	s2 =	sld [smem:$0x3FD9]  }
0x89: {  	s3 =	sld [smem:$0x3FFE];
	_ =	sdelay $0x1  }
0x8a: {  	s1 =	srdreg.scid  }
0x8b: {  	s0 =	sand.u32 $0x1, s1  }
0x8c: {  	s17 =	sshll.u32 s0, $0xA;
	s2 =	sadd.s32 s3, s2  }
0x8d: {  	s2 =	sadd.s32 s2, s17  }
0x8e: {  	[smem:$0x3FC3] =	sst s2  }
0x8f: {  	_ = 	snop  }
0x90: {  	s2 =	sld [smem:$0x3FC9]  }
0x91: {  	s18 =	sld [smem:$0x3FC8]  }
0x92: {  	s4 =	sld [smem:$0x3FC5]  }
0x93: {  	s5 =	sld [smem:$0x3FD0];
	(tm) =	ssettm $0x1  }
0x94: {  	s6 =	sld [smem:$0x3FFB];
	_ =	sdelay $0x3  }
0x95: {  	_ =	strace s6  }
0x96: {  	s6 =	sld [smem:$0x3FFC];
	_ =	sdelay $0x3  }
0x97: {  	_ =	strace s6  }
0x98: {  	s6 =	sld [smem:$0x3FFD];
	_ =	sdelay $0x3  }
0x99: {  	_ =	strace s6  }
0x9a: {  	_ =	strace $0x8FFFFFFF  }
0x9b: {  	s19 =	sld [smem:$0x3FDB];
	_ =	sdelay $0x1  }
0x9c: {  	s7 =	simm.s32 $_scs_section_size  }
0x9d: {  	s8 =	simm.s32 $_size__tile_overlayer_lowered;
	s9 =	simm.s32 $_tile_overlayer_lowered  }
0x9e: {  	s22 =	simm.s32 $0x1BFF;
	s21 =	sshll.u32 s9, $0x1;
	s6 =	sadd.s32 s7, s19  }
0x9f: {  	s10 =	simm.s32 $0x0;
	s20 =	sshll.u32 s8, $0x1;
	s8 =	sadd.s32 s21, s6  }
0xa0: {  	[timem:s10], [sflag:s22] =	dma.local [hbm:s8], s20  }
0xa1: {  	_ =	swait.ge [sflag:s22], s20  }
0xa2: {  	s7 =	ssub.s32 $0x0, s20;
	[sflag:s22] =	ssyncset.done $0x0  }
0xa3: {  	[sflag:s22] =	ssyncadd.s32 s7;
	_ =	sdelay $0x1  }
0xa4: {  	s23 =	simm.s32 $0x1B8B  }
0xa5: {  	_ =	swait.ge [sflag:s23], $0x1  }
0xa6: {  	[sflag:s23] =	ssyncset.done $0x0  }
0xa7: {  	s25 =	simm.s32 $0x1B8E;
	s24 =	sld [smem:$0x3FFE];
	[sflag:s23] =	ssyncadd.s32 $0xFFFFFFFF  }
0xa8: {  	s26 =	simm.s32 $execute0_lowered;
	[smem:$0x3FD2] =	sst s25  }
0xa9: {  	s8 =	sshll.u32 s26, $0x1;
	_ =	strace $0x80000046;
	[dreg:$0x1] =	wrdreg $0xFFFFFFFF  }
0xaa: {  	s28 =	simm.s32 $_size_execute0_lowered;
	s6 =	sadd.s32 s6, s8;
	[dreg:$0x0] =	wrdreg $0x0  }
0xab: {  	s8 =	sshll.u32 s28, $0x1;
	[dreg:$0x2] =	wrdreg s6  }
0xac: {  	[dreg:$0x3] =	wrdreg s8  }
0xad: {  	[dreg:$0x4] =	wrdreg $0xC0  }
0xae: {  	_ =	task [dreg:s10], $0x5FFFF  }
0xaf: {  	[dreg:$0x1] =	wrdreg $0xFFFFFFFF  }
0xb0: {  	[dreg:$0x0] =	wrdreg $0x60  }
0xb1: {  	[dreg:$0x2] =	wrdreg s2  }
0xb2: {  	[dreg:$0x3] =	wrdreg s18  }
0xb3: {  	[dreg:$0x4] =	wrdreg s24  }
0xb4: {  	[dreg:$0x5] =	wrdreg s4  }
0xb5: {  	[dreg:$0x6] =	wrdreg s5  }
0xb6: {  	[dreg:$0x7] =	wrdreg $0x9  }
0xb7: {  	_ =	task.clear_ibuf [dreg:s10], $0x8FFFF;
	_ =	strace $0x90000046  }
0xb8: {  	s29 =	simm.s32 $0x9;
	_ =	strace $0x80000048  }
0xb9: {  	_ =	swait.ge [sflag:s29], $0x1  }
0xba: {  	[sflag:s29] =	ssyncadd.s32 $0xFFFFFFFF  }
0xbb: {  	_ =	strace $0x90000048  }
0xbc: {  	_ =	sfence  }
0xbd: {  	s30 =	sld [smem:$0x0];
	_ =	sdelay $0x2  }
0xbe: {  	s31 =	sshll.u32 s1, $0xD;
	s1 =	sshrl.u32 s1, $0x2  }
0xbf: {  	s3 =	sand.u32 $0x4000, s31;
	s1 =	sadd.s32 s1, s30  }
0xc0: {  	s0 =	sor.u32 s3, s0;
	s1 =	sshll.u32 s1, $0x11  }
0xc1: {  	s0 =	sor.u32 s1, s0  }
0xc2: {  	s0 =	sadd.s32 $0x8F2B, s0  }
0xc3: {  	[sflag:s0] =	ssyncadd.remote.s32 $0x1  }
0xc4: {  	_ =	sfence.sel $0xFFFF  }
0xc5: {  	[dreg:$0x0] =	wrdreg $0xFFFFFFFF;
	(pc) =	sbr.abs _section_cstart, $3  }
0xc6: {  	[dreg:$0x1] =	wrdreg $0xFFFFFFFF  }
0xc7: {  	_ =	task.clear_ibuf [dreg:s10], $0x2FFFF;
	_ =	strace $0x9FFFFFFF  }
0xc8: {  	(tm) =	ssettm $0x7FFFFFFF  }
0xc9: {  	_ =	shalt  }
tec
execute0_lowered:
.L_overlay_start_1:
0x0: {  	(tag) =	ssettag $0x1  }
0x1: {  	v0 =	vimm.s32 $0xFEDCBA9;
	v1 =	vimm.s32 $0x87654321  }
0x2: {  	v2 =	vimm.s32 $0x10FEDCBA;
	v3 =	vimm.s32 $0x98765432;
	v4 =	vimm.s32 $0x210FEDCB  }
0x3: {  	v5 =	vimm.s32 $0xA9876543;
	v6 =	vimm.s32 $0x3210FEDC;
	v7 =	vimm.s32 $0xBA987654  }
0x4: {  	v11 =	vimm.s32 $0x43210FED;
	v12 =	vimm.s32 $0xCBA98765;
	v13 =	vimm.s32 $0x6543210F  }
0x5: {  	v14 =	vimm.s32 $0xEDCBA987;
	v15 =	vimm.s32 $0xFEDCBA98;
	v16 =	vimm.s32 $0x76543210  }
0x6: {  	v0 =	vunpack.c.l.s4.s8 v0;
	v1 =	vunpack.c.l.s4.s8 v1;
	v2 =	vunpack.c.l.s4.s8 v2  }
0x7: {  	v3 =	vunpack.c.l.s4.s8 v3;
	v4 =	vunpack.c.l.s4.s8 v4;
	v5 =	vunpack.c.l.s4.s8 v5  }
0x8: {  	v6 =	vunpack.c.l.s4.s8 v6;
	v7 =	vunpack.c.l.s4.s8 v7;
	v13 =	vunpack.c.l.s4.s8 v13  }
0x9: {  	v14 =	vunpack.c.l.s4.s8 v14;
	v15 =	vunpack.c.l.s4.s8 v15;
	v16 =	vunpack.c.l.s4.s8 v16  }
0xa: {  	v0 =	vunpack.c.0.s8.s32 v0;
	v1 =	vunpack.c.0.s8.s32 v1;
	v2 =	vunpack.c.0.s8.s32 v2  }
0xb: {  	v3 =	vunpack.c.0.s8.s32 v3;
	v4 =	vunpack.c.0.s8.s32 v4;
	v5 =	vunpack.c.0.s8.s32 v5  }
0xc: {  	s7 =	rddreg [dreg:$0x0];
	v6 =	vunpack.c.0.s8.s32 v6;
	v7 =	vunpack.c.0.s8.s32 v7;
	v8 =	vcombine.low v1, v0  }
0xd: {  	s8 =	rddreg [dreg:$0x1];
	v13 =	vunpack.c.0.s8.s32 v13;
	v14 =	vunpack.c.0.s8.s32 v14;
	v9 =	vcombine.low v3, v2  }
0xe: {  	s6 =	rddreg [dreg:$0x2];
	v15 =	vunpack.c.0.s8.s32 v15;
	v10 =	vcombine.low v5, v4;
	v8 =	vand.u32 $0xF, v8  }
0xf: {  	s0 =	rddreg [dreg:$0x3];
	v16 =	vunpack.c.0.s8.s32 v16;
	v46 =	vcombine.low v7, v6;
	v43 =	vand.u32 $0xF, v9;
	[tilespmem:$0x1FEE0] =	vst v8  }
0x10: {  	v48 =	vimm.s32 $0x543210FE;
	s9 =	rddreg [dreg:$0x4];
	s2 =	simm.s32 $0x0;
	v15 =	vand.u32 $0xF, v15;
	v45 =	vand.u32 $0xF, v10;
	[tilespmem:$0x1FEF0] =	vst v43  }
0x11: {  	[smem:$0x7FF] =	sst s2;
	v18 =	vcombine.low v14, v13;
	v51 =	vcombine.low v15, v16;
	v9 =	vand.u32 $0xF, v46;
	[tilespmem:$0x1FF00] =	vst v45  }
0x12: {  	v49 =	vimm.s32 $0xDCBA9876;
	s1 =	rddreg [dreg:$0x5];
	v11 =	vunpack.c.l.s4.s8 v11;
	v0 =	vcombine.low v0, v1;
	_ =	strace $0x80000047;
	[tilespmem:$0x1FF10] =	vst v9  }
0x13: {  	v44 =	vunpack.c.l.s4.s8 v12;
	v53 =	vcombine.low v2, v3;
	v55 =	vand.u32 $0xF, v18;
	[tilespmem:$0x1FF30] =	vst v51  }
0x14: {  	v12 =	vunpack.c.l.s4.s8 v49;
	v54 =	vcombine.low v4, v5;
	v0 =	vand.u32 $0xF, v0;
	[tilespmem:$0x1FF50] =	vst v55  }
0x15: {  	v47 =	vunpack.c.0.s8.s32 v11;
	v56 =	vcombine.low v6, v7;
	v1 =	vand.u32 $0xF, v53;
	[tilespmem:$0x1FF60] =	vst v0  }
0x16: {  	v11 =	vunpack.c.l.s4.s8 v48;
	v59 =	vcombine.low v13, v14;
	v60 =	vand.u32 $0xF, v54;
	[tilespmem:$0x1FF70] =	vst v1  }
0x17: {  	v22 =	vlaneseq.u32;
	v61 =	vand.u32 $0xF, v56;
	[tilespmem:$0x1FF80] =	vst v60  }
0x18: {  	s4 =	srdreg.scid;
	s3 =	stileid.u32;
	v12 =	vunpack.c.0.s8.s32 v12;
	v11 =	vunpack.c.0.s8.s32 v11;
	v63 =	vand.u32 $0xF, v59;
	[tilespmem:$0x1FF90] =	vst v61  }
0x19: {  	s13 =	simm.s32 $0x40;
	s14 =	simm.s32 $0x400;
	s15 =	simm.s32 $0x6C00;
	v19 =	vor.u32 $0x10, v22;
	[tilespmem:$0x1FFC0] =	vst v63  }
0x1a: {  	s16 =	simm.s32 $0xD400;
	s17 =	simm.s32 $0x1;
	s18 =	simm.s32 $0xF400;
	v20 =	vor.u32 $0x20, v22;
	v17 =	vcombine.low v12, v11;
	v8 =	vunpack.c.0.s8.s32 v44;
	[tilespmem:$0x1FFD0] =	vst v19  }
0x1b: {  	s19 =	simm.s32 $0x10440;
	s20 =	simm.s32 $0x0;
	v21 =	vor.u32 $0x30, v22;
	s5 =	sand.u32 $0x1, s4;
	v58 =	vcombine.low v11, v12;
	[tilespmem:$0x1FFE0] =	vst v20  }
0x1c: {  	s10 =	sshll.u32 s3, $0xA;
	s11 =	sshll.u32 s5, $0x9;
	s12 =	ssub.s32 $0x2, s5;
	v52 =	vand.u32 $0xF, v17;
	[tilespmem:$0x1FFF0] =	vst v21;
	v50 =	vcombine.low v8, v47  }
0x1d: {  	s4 =	sadd.s32 $0x61AC00, s6;
	s5 =	sor.u32 s11, s10;
	s31 =	sshrl.u32 s12, $0x1;
	v0 =	vand.u32 $0xF, v58;
	[tilespmem:$0x1FF40] =	vst v52;
	v57 =	vcombine.low v47, v8  }
0x1e: {  	s6 =	sadd.s32 $0xB10600, s6;
	s11 =	sshrl.u32 s5, $0x3;
	s10 =	ssub.s32 s12, s31;
	[tilespmem:$0x1FFB0] =	vst v0;
	v9 =	vand.u32 $0xF, v50  }
0x1f: {  	s12 =	simm.s32 $0x200;
	s7 =	sadd.s32 s7, s11;
	s8 =	sadd.s32 s8, s11;
	v62 =	vand.u32 $0xF, v57;
	[tilespmem:$0x1FF20] =	vst v9  }
0x20: {  	s9 =	sadd.s32 s9, s11;
	s10 =	smax.u32 s10, $0x1;
	s11 =	simm.s32 $0x2;
	[tilespmem:$0x1FFA0] =	vst v62  }
.LBB2_1:
0x21: {  	[tilespmem:s2], [sflag:$0x2] =	stream.linear.gather [hbm4b:s7+s2], $0x200, $0x38;
	[tilespmem:$0x10640] =	vst v63  }
0x22: {  	_ =	swait.ge [sflag:s11], $0x200  }
0x23: {  	[sflag:s11] =	ssyncset.done $0x0  }
0x24: {  	[sflag:s11] =	ssyncadd.s32 $0xFFFFFE00  }
0x25: {  	[tilespmem:s12], [sflag:$0x2] =	stream.linear.gather [hbm4b:s8+s2], $0x200, $0x38;
	[tilespmem:$0x10640] =	vst v63  }
0x26: {  	_ =	swait.ge [sflag:s11], $0x200  }
0x27: {  	[sflag:s11] =	ssyncset.done $0x0  }
0x28: {  	s21 =	simm.s32 $0x0;
	[sflag:s11] =	ssyncadd.s32 $0xFFFFFE00  }
.LBB2_2:
0x29: {  	s22 =	sshll.u32 s21, $0x6  }
0x2a: {  	[tilespmem:s14], [sflag:$0x1] =	stream.indirect.gather [hbm4b:s4+s13], $0x1A0, s22, s13, $0xb8;
	[tilespmem:$0x10640] =	vst v63  }
0x2b: {  	s23 =	sadd.s32 $0x200, s22;
	s29 =	sadd.s32 s5, s22  }
0x2c: {  	[tilespmem:s15], [sflag:$0x1] =	stream.indirect.gather [hbm4b:s6+s13], $0x1A0, s23, s13, $0xb8;
	[tilespmem:$0x10640] =	vst v63  }
0x2d: {  	s23 =	sshll.u32 s29, $0x4  }
0x2e: {  	s24 =	sadd.s32 s0, s23;
	s23 =	simm.s32 $0x0  }
0x2f: {  	[tilespmem:s16], [sflag:$0x1] =	stream.linear.gather [hbm4b:s24+s23], $0x2000, $0x38;
	[tilespmem:$0x10640] =	vst v63  }
0x30: {  	_ =	swait.ge [sflag:s17], $0x6800  }
0x31: {  	[sflag:s17] =	ssyncset.done $0x0  }
0x32: {  	[sflag:s17] =	ssyncadd.s32 $0xFFFF9800  }
0x33: {  	s30 =	simm.s32 $0x0;
	_ =	swait.ge [sflag:s17], $0x6800  }
0x34: {  	v0 =	vor.u32 s30, v22;
	[sflag:s17] =	ssyncset.done $0x0  }
0x35: {  	[sflag:s17] =	ssyncadd.s32 $0xFFFF9800  }
0x36: {  	_ =	swait.ge [sflag:s17], $0x2000  }
0x37: {  	[sflag:s17] =	ssyncset.done $0x0  }
0x38: {  	[sflag:s17] =	ssyncadd.s32 $0xFFFFE000  }
0x39: {  	v1 =	vadd.s32 s23, v22;
	v0 =	vld.idx.msk [tilespmem:v0+s16+$0x0], $0xffff  }
0x3a: {  	v2 =	vor.u32 s30, v19;
	_ =	sdelay $0x3  }
0x3b: {  	s25 =	simm.s32 $0x10;
	[tilespmem:v1+s18+$0x0] =	vst.idx.msk $0xffff, v0  }
0x3c: {  	v1 =	vadd.s32 s25, v22;
	v0 =	vld.idx.msk [tilespmem:v2+s16+$0x0], $0xffff  }
0x3d: {  	v2 =	vor.u32 s30, v20;
	_ =	sdelay $0x3  }
0x3e: {  	s31 =	simm.s32 $0x20;
	[tilespmem:v1+s18+$0x0] =	vst.idx.msk $0xffff, v0  }
0x3f: {  	v1 =	vadd.s32 s31, v22;
	v0 =	vld.idx.msk [tilespmem:v2+s16+$0x0], $0xffff  }
0x40: {  	v2 =	vor.u32 s30, v21;
	_ =	sdelay $0x3  }
0x41: {  	s26 =	simm.s32 $0x30;
	[tilespmem:v1+s18+$0x0] =	vst.idx.msk $0xffff, v0  }
0x42: {  	s24 =	simm.s32 $0x80;
	s25 =	simm.s32 $0x2;
	v1 =	vadd.s32 s26, v22;
	v0 =	vld.idx.msk [tilespmem:v2+s16+$0x0], $0xffff  }
.LBB2_3:
0x43: {  	p0 =	seq.s32 s25, $0x3F;
	v2 =	vor.u32 s24, v22;
	_ =	sdelay $0x3  }
0x44: {  	[tilespmem:v1+s18+$0x0] =	vst.idx.msk $0xffff, v0  }
0x45: {  	s23 =	sadd.s32 $0x41, s23;
	v0 =	vld.idx.msk [tilespmem:v2+s16+$0x0], $0xffff  }
0x46: {  	v1 =	vadd.s32 s23, v22  }
0x47: {  	v2 =	vor.u32 s24, v19;
	_ =	sdelay $0x3  }
0x48: {  	[tilespmem:v1+s18+$0x0] =	vst.idx.msk $0xffff, v0  }
0x49: {  	s26 =	sadd.s32 $0x10, s23;
	v0 =	vld.idx.msk [tilespmem:v2+s16+$0x0], $0xffff  }
0x4a: {  	v1 =	vadd.s32 s26, v22  }
0x4b: {  	v2 =	vor.u32 s24, v20;
	_ =	sdelay $0x3  }
0x4c: {  	[tilespmem:v1+s18+$0x0] =	vst.idx.msk $0xffff, v0  }
0x4d: {  	s26 =	sadd.s32 $0x20, s23;
	v0 =	vld.idx.msk [tilespmem:v2+s16+$0x0], $0xffff  }
0x4e: {  	v1 =	vadd.s32 s26, v22  }
0x4f: {  	v2 =	vor.u32 s24, v21;
	_ =	sdelay $0x1  }
.Ltmp0:
0x50: {  	(pc) =	sbr.rel @!p0 .LBB2_3-.Ltmp0, $4  }
0x51: {  	_ = 	snop  }
0x52: {  	[tilespmem:v1+s18+$0x0] =	vst.idx.msk $0xffff, v0  }
0x53: {  	s26 =	sadd.s32 $0x30, s23;
	v0 =	vld.idx.msk [tilespmem:v2+s16+$0x0], $0xffff  }
0x54: {  	s24 =	sshll.u32 s25, $0x7;
	s25 =	sadd.s32 $0x1, s25;
	v1 =	vadd.s32 s26, v22  }
0x55: {  	v2 =	vor.u32 s24, v22;
	_ =	sdelay $0x3  }
0x56: {  	s23 =	sadd.s32 $0x41, s23;
	[tilespmem:v1+s18+$0x0] =	vst.idx.msk $0xffff, v0  }
0x57: {  	v56 =	vadd.s32 s23, v22;
	v0 =	vld.idx.msk [tilespmem:v2+s16+$0x0], $0xffff  }
0x58: {  	v57 =	vor.u32 s24, v19;
	_ =	sdelay $0x3  }
0x59: {  	s25 =	sadd.s32 $0x10, s23;
	[tilespmem:v56+s18+$0x0] =	vst.idx.msk $0xffff, v0  }
0x5a: {  	v58 =	vadd.s32 s25, v22;
	v0 =	vld.idx.msk [tilespmem:v57+s16+$0x0], $0xffff  }
0x5b: {  	v59 =	vor.u32 s24, v20;
	_ =	sdelay $0x3  }
0x5c: {  	s30 =	sadd.s32 $0x20, s23;
	[tilespmem:v58+s18+$0x0] =	vst.idx.msk $0xffff, v0  }
0x5d: {  	v60 =	vadd.s32 s30, v22;
	v0 =	vld.idx.msk [tilespmem:v59+s16+$0x0], $0xffff  }
0x5e: {  	v61 =	vor.u32 s24, v21;
	_ =	sdelay $0x3  }
0x5f: {  	s23 =	sadd.s32 $0x30, s23;
	[tilespmem:v60+s18+$0x0] =	vst.idx.msk $0xffff, v0  }
0x60: {  	v62 =	vadd.s32 s23, v22;
	v0 =	vld.idx.msk [tilespmem:v61+s16+$0x0], $0xffff;
	_ =	sdelay $0x1  }
0x61: {  	s31 =	sadd.s32 $0x10440, s22  }
0x62: {  	v63 =	vmov s31  }
0x63: {  	[tilespmem:$0x1FED0] =	vst v63  }
0x64: {  	s22 =	simm.s32 $0x0;
	[tilespmem:v62+s18+$0x0] =	vst.idx.msk $0xffff, v0  }
.LBB2_5:
0x65: {  	v2 =	vld [tilespmem:$0x1FF90]  }
0x66: {  	s23 =	sshll.u32 s22, $0x4  }
0x67: {  	v1 =	vor.u32 s23, v22  }
0x68: {  	v0 =	vmul.u32 $0x1A0, v1;
	_ =	sdelay $0x1  }
0x69: {  	s24 =	simm.s32 $0x10;
	v7 =	vor.u32 v2, v0  }
0x6a: {  	v2 =	vadd.s32 s24, v7;
	_ =	sdelay $0x3  }
0x6b: {  	v4 =	vld [tilespmem:$0x1FFB0]  }
0x6c: {  	v10 =	vld.idx.msk [tilespmem:v2+s14+$0x0], $0xffff  }
0x6d: {  	v23 =	vld.idx.msk [tilespmem:v2+s15+$0x0], $0xffff  }
0x6e: {  	v2 =	vld [tilespmem:$0x1FF60];
	_ =	sdelay $0x2  }
0x6f: {  	v26 =	vor.u32 v4, v0  }
0x70: {  	v5 =	vld [tilespmem:$0x1FF30];
	v4 =	vadd.s32 s24, v26  }
0x71: {  	v16 =	vor.u32 v2, v0;
	v2 =	vld [tilespmem:$0x1FF70];
	_ =	sdelay $0x1  }
0x72: {  	v3 =	vld [tilespmem:$0x1FFA0];
	_ =	sdelay $0x1  }
0x73: {  	v12 =	vor.u32 v5, v0;
	v19 =	vld.idx.msk [tilespmem:v4+s14+$0x0], $0xffff  }
0x74: {  	v5 =	vadd.s32 s24, v12;
	v20 =	vld.idx.msk [tilespmem:v4+s15+$0x0], $0xffff;
	v2 =	vor.u32 v2, v0  }
0x75: {  	[tilespmem:$0x1FDC0] =	vst v2;
	v4 =	vadd.s32 s24, v2;
	v2 =	vld [tilespmem:$0x1FF80]  }
0x76: {  	v9 =	vor.u32 v3, v0  }
0x77: {  	s28 =	simm.s32 $0x0;
	v3 =	vadd.s32 s24, v9  }
0x78: {  	[tilespmem:$0x1FE00] =	vst v12;
	v15 =	vadd.s32 s28, v12;
	v12 =	vld [tilespmem:$0x1FFC0]  }
0x79: {  	v21 =	vld.idx.msk [tilespmem:v5+s14+$0x0], $0xffff  }
0x7a: {  	v40 =	vld.idx.msk [tilespmem:v5+s15+$0x0], $0xffff;
	v2 =	vor.u32 v2, v0  }
0x7b: {  	[tilespmem:$0x1FDD0] =	vst v2;
	v5 =	vadd.s32 s24, v2;
	v2 =	vld [tilespmem:$0x1FF10]  }
0x7c: {  	v51 =	vadd.s32 s28, v26;
	v39 =	vld.idx.msk [tilespmem:v3+s14+$0x0], $0xffff  }
0x7d: {  	v14 =	vld.idx.msk [tilespmem:v3+s15+$0x0], $0xffff;
	v3 =	vadd.s32 s24, v16  }
0x7e: {  	v46 =	vld.idx.msk [tilespmem:v15+s14+$0x0], $0xffff  }
0x7f: {  	v49 =	vld.idx.msk [tilespmem:v15+s15+$0x0], $0xffff;
	[tilespmem:$0x1FE10] =	vst v16;
	v16 =	vadd.s32 s28, v16  }
0x80: {  	v17 =	vor.u32 v2, v0;
	v2 =	vld [tilespmem:$0x1FF20]  }
0x81: {  	v43 =	vld.idx.msk [tilespmem:v51+s14+$0x0], $0xffff  }
0x82: {  	v24 =	vld.idx.msk [tilespmem:v3+s14+$0x0], $0xffff  }
0x83: {  	v25 =	vld.idx.msk [tilespmem:v3+s15+$0x0], $0xffff  }
0x84: {  	v47 =	vld.idx.msk [tilespmem:v16+s14+$0x0], $0xffff  }
0x85: {  	v18 =	vor.u32 v2, v0;
	v2 =	vld [tilespmem:$0x1FF40]  }
0x86: {  	v50 =	vld.idx.msk [tilespmem:v16+s15+$0x0], $0xffff  }
0x87: {  	v27 =	vld.idx.msk [tilespmem:v4+s14+$0x0], $0xffff;
	v3 =	vadd.s32 s24, v18  }
0x88: {  	v44 =	vld.idx.msk [tilespmem:v4+s15+$0x0], $0xffff  }
0x89: {  	v48 =	vld.idx.msk [tilespmem:v5+s14+$0x0], $0xffff  }
0x8a: {  	v55 =	vld.idx.msk [tilespmem:v5+s15+$0x0], $0xffff;
	v6 =	vadd.s32 s24, v17;
	v28 =	vor.u32 v2, v0  }
0x8b: {  	v2 =	vld [tilespmem:$0x1FF50];
	v4 =	vadd.s32 s24, v28  }
0x8c: {  	v54 =	vld.idx.msk [tilespmem:v3+s14+$0x0], $0xffff  }
0x8d: {  	v56 =	vld.idx.msk [tilespmem:v3+s15+$0x0], $0xffff  }
0x8e: {  	[tilespmem:$0x1FE30] =	vst v18;
	v18 =	vadd.s32 s28, v18;
	v3 =	vld [tilespmem:$0x1FEE0]  }
0x8f: {  	v61 =	vld.idx.msk [tilespmem:v6+s14+$0x0], $0xffff  }
0x90: {  	v29 =	vor.u32 v2, v0;
	v57 =	vld.idx.msk [tilespmem:v4+s14+$0x0], $0xffff  }
0x91: {  	v5 =	vadd.s32 s24, v29;
	v59 =	vld.idx.msk [tilespmem:v4+s15+$0x0], $0xffff  }
0x92: {  	v4 =	vld [tilespmem:$0x1FEF0]  }
0x93: {  	v16 =	vld.idx.msk [tilespmem:v18+s14+$0x0], $0xffff;
	v30 =	vor.u32 v3, v0  }
0x94: {  	v18 =	vld.idx.msk [tilespmem:v18+s15+$0x0], $0xffff;
	v3 =	vadd.s32 s24, v30  }
0x95: {  	v22 =	vor.u32 v22, v0;
	v2 =	vld.idx.msk [tilespmem:v6+s15+$0x0], $0xffff  }
0x96: {  	v6 =	vadd.s32 s24, v22;
	v58 =	vld.idx.msk [tilespmem:v5+s14+$0x0], $0xffff  }
0x97: {  	v31 =	vor.u32 v4, v0;
	v4 =	vld [tilespmem:$0x1FF00]  }
0x98: {  	v60 =	vld.idx.msk [tilespmem:v5+s15+$0x0], $0xffff;
	v8 =	vadd.s32 s24, v31  }
0x99: {  	v63 =	vld.idx.msk [tilespmem:v3+s14+$0x0], $0xffff  }
0x9a: {  	v5 =	vld.idx.msk [tilespmem:v3+s15+$0x0], $0xffff;
	v3 =	vadd.s32 s28, v9  }
0x9b: {  	v62 =	vld.idx.msk [tilespmem:v6+s14+$0x0], $0xffff  }
0x9c: {  	[tilespmem:$0x1FE40] =	vst v22;
	v36 =	vadd.s32 s28, v22;
	v32 =	vor.u32 v4, v0;
	v4 =	vld.idx.msk [tilespmem:v6+s15+$0x0], $0xffff  }
0x9d: {  	[tilespmem:$0x1FDE0] =	vst v7;
	v13 =	vadd.s32 s28, v7;
	v22 =	vadd.s32 s28, v31;
	v7 =	vld.idx.msk [tilespmem:v8+s14+$0x0], $0xffff  }
0x9e: {  	[tilespmem:$0x1FDF0] =	vst v9;
	v9 =	vld.idx.msk [tilespmem:v8+s15+$0x0], $0xffff  }
0x9f: {  	v0 =	vor.u32 v12, v0;
	v12 =	vadd.s32 s28, v30;
	v41 =	vld.idx.msk [tilespmem:v3+s14+$0x0], $0xffff  }
0xa0: {  	v42 =	vld.idx.msk [tilespmem:v3+s15+$0x0], $0xffff  }
0xa1: {  	v11 =	vadd.s32 s24, v32;
	[tilespmem:$0x1FE50] =	vst v0;
	v38 =	vadd.s32 s24, v0;
	v0 =	vld.idx.msk [tilespmem:v36+s15+$0x0], $0xffff  }
0xa2: {  	v52 =	vmul.f32 v23, v10;
	v10 =	vmul.f32 v40, v21;
	v21 =	vld.idx.msk [tilespmem:v22+s14+$0x0], $0xffff  }
0xa3: {  	v22 =	vld.idx.msk [tilespmem:v22+s15+$0x0], $0xffff  }
0xa4: {  	v40 =	vld.idx.msk [tilespmem:v12+s14+$0x0], $0xffff  }
0xa5: {  	v45 =	vmul.f32 v20, v19;
	v3 =	vadd.s32 s28, v17;
	v20 =	vld.idx.msk [tilespmem:v12+s15+$0x0], $0xffff  }
0xa6: {  	v6 =	vld.idx.msk [tilespmem:v11+s14+$0x0], $0xffff  }
0xa7: {  	[tilespmem:$0x1FE60] =	vst v26;
	v8 =	vld.idx.msk [tilespmem:v11+s15+$0x0], $0xffff  }
0xa8: {  	[tilespmem:$0x1FE20] =	vst v17;
	v11 =	vld.idx.msk [tilespmem:v13+s14+$0x0], $0xffff  }
0xa9: {  	v53 =	vmul.f32 v14, v39;
	v39 =	vmul.u32 $0x41, v1;
	[tilespmem:$0x1FEB0] =	vst v28;
	v23 =	vadd.s32 s28, v32;
	v13 =	vld.idx.msk [tilespmem:v13+s15+$0x0], $0xffff  }
0xaa: {  	[tilespmem:$0x1FEC0] =	vst v29;
	v15 =	vld.idx.msk [tilespmem:v3+s14+$0x0], $0xffff  }
0xab: {  	s31 =	simm.s32 $0x20;
	[tilespmem:$0x1FE70] =	vst v30;
	v1 =	vmul.f32 v2, v61;
	v2 =	vadd.s32 $0x2, v39;
	v17 =	vld.idx.msk [tilespmem:v3+s15+$0x0], $0xffff  }
0xac: {  	s26 =	simm.s32 $0x1;
	v14 =	vmul.f32 v25, v24;
	v19 =	vmul.f32 v55, v48;
	v48 =	vadd.s32 s31, v39;
	[tilespmem:$0x1FEA0] =	vst v2;
	v3 =	vld.idx.msk [tilespmem:v36+s14+$0x0], $0xffff  }
0xad: {  	s25 =	simm.s32 $0x21;
	v25 =	vadd.s32 s28, v28;
	v24 =	vadd.s32 s28, v29;
	v61 =	vadd.s32 s26, v39;
	[tilespmem:$0x1FE80] =	vst v31;
	v36 =	vld.idx.msk [tilespmem:v38+s14+$0x0], $0xffff  }
0xae: {  	v55 =	vmovc v39;
	s26 =	simm.s32 $0x0;
	[tilespmem:$0x1FE90] =	vst v32;
	v12 =	vmul.f32 v44, v27;
	v44 =	vadd.s32 s25, v39;
	s25 =	simm.s32 $0x2;
	v27 =	vimm.f32 $0.0e+00;
	v2 =	vld.idx.msk [tilespmem:v23+s14+$0x0], $0xffff  }
.LBB2_6:
0xaf: {  	v23 =	vld.idx.msk [tilespmem:v23+s15+$0x0], $0xffff  }
0xb0: {  	v29 =	vld [tilespmem:$0x1FDC0]  }
0xb1: {  	v34 =	vld [tilespmem:$0x1FDE0]  }
0xb2: {  	v54 =	vmul.f32 v56, v54;
	v56 =	vmul.f32 v59, v57;
	v59 =	vld.idx.msk [tilespmem:v25+s14+$0x0], $0xffff  }
0xb3: {  	v25 =	vld.idx.msk [tilespmem:v25+s15+$0x0], $0xffff  }
0xb4: {  	v28 =	vld [tilespmem:$0x1FDD0]  }
0xb5: {  	v35 =	vld [tilespmem:$0x1FDF0]  }
0xb6: {  	v4 =	vmul.f32 v4, v62;
	v5 =	vmul.f32 v5, v63;
	v37 =	vld.idx.msk [tilespmem:v24+s14+$0x0], $0xffff  }
0xb7: {  	v30 =	vld [tilespmem:$0x1FE50];
	v6 =	vmul.f32 v8, v6;
	v0 =	vmul.f32 v0, v3  }
0xb8: {  	v3 =	vmul.f32 v20, v40;
	v8 =	vld.idx.msk [tilespmem:v24+s15+$0x0], $0xffff;
	v20 =	vmul.f32 v22, v21  }
0xb9: {  	v16 =	vmul.f32 v18, v16;
	v24 =	vld.idx.msk [tilespmem:v51+s15+$0x0], $0xffff;
	v26 =	vadd.s32 s28, v29;
	v2 =	vmul.f32 v23, v2  }
0xba: {  	v40 =	vld [tilespmem:$0x1FE70];
	v23 =	vmul.f32 v25, v59;
	v3 =	vadd.f32 $0.0e+00, v3;
	v20 =	vadd.f32 $0.0e+00, v20  }
0xbb: {  	v58 =	vmul.f32 v60, v58;
	v4 =	vadd.f32 $0.0e+00, v4;
	v5 =	vadd.f32 $0.0e+00, v5;
	v25 =	vld [tilespmem:$0x1FEB0]  }
0xbc: {  	v60 =	vadd.s32 s28, v28;
	v3 =	vadd.f32 v16, v3;
	v16 =	vadd.f32 v23, v20;
	v20 =	vld.idx.msk [tilespmem:v38+s15+$0x0], $0xffff  }
0xbd: {  	v11 =	vmul.f32 v13, v11;
	v1 =	vadd.f32 v1, v4;
	v23 =	vld [tilespmem:$0x1FE30]  }
0xbe: {  	v4 =	vadd.f32 v54, v5;
	v13 =	vadd.s32 s28, v30;
	v5 =	vmul.f32 v8, v37;
	v37 =	vld [tilespmem:$0x1FEC0]  }
0xbf: {  	v21 =	vld.idx.msk [tilespmem:v26+s14+$0x0], $0xffff  }
0xc0: {  	s24 =	sadd.s32 $0x20, s24;
	v15 =	vmul.f32 v17, v15;
	v22 =	vld.idx.msk [tilespmem:v26+s15+$0x0], $0xffff  }
0xc1: {  	v7 =	vmul.f32 v9, v7;
	v9 =	vadd.s32 s24, v35;
	v0 =	vadd.f32 $0.0e+00, v0;
	v17 =	vld.idx.msk [tilespmem:v60+s14+$0x0], $0xffff  }
0xc2: {  	v6 =	vadd.f32 $0.0e+00, v6;
	v18 =	vld.idx.msk [tilespmem:v60+s15+$0x0], $0xffff  }
0xc3: {  	v0 =	vadd.f32 v15, v0;
	v15 =	vmul.f32 v49, v46;
	v8 =	vld.idx.msk [tilespmem:v13+s14+$0x0], $0xffff  }
0xc4: {  	v6 =	vadd.f32 v58, v6;
	v13 =	vld.idx.msk [tilespmem:v13+s15+$0x0], $0xffff  }
0xc5: {  	v2 =	vadd.f32 $0.0e+00, v2;
	v0 =	vadd.f32 v15, v0;
	v15 =	vld.idx.msk [tilespmem:v44+s18+$0x0], $0xffff  }
0xc6: {  	v7 =	vadd.f32 $0.0e+00, v7;
	v6 =	vadd.f32 v19, v6;
	v19 =	vld.idx.msk [tilespmem:v9+s15+$0x0], $0xffff  }
0xc7: {  	v38 =	vadd.s32 s24, v30;
	v44 =	vld [tilespmem:$0x1FE80];
	v2 =	vadd.f32 v5, v2;
	v5 =	vmul.f32 v50, v47  }
0xc8: {  	v1 =	vadd.f32 v10, v1;
	v0 =	vadd.f32 v11, v0;
	v11 =	vld.idx.msk [tilespmem:v61+s18+$0x0], $0xffff  }
0xc9: {  	v3 =	vadd.f32 v5, v3;
	v5 =	vmul.f32 v42, v41;
	v10 =	vmul.f32 v18, v17;
	v17 =	vld [tilespmem:$0x1FE60]  }
0xca: {  	v7 =	vadd.f32 v56, v7;
	v18 =	vld [tilespmem:$0x1FE00]  }
0xcb: {  	v21 =	vmul.f32 v22, v21;
	v3 =	vadd.f32 v5, v3;
	v5 =	vmul.f32 v20, v36;
	v20 =	vld [tilespmem:$0x1FE10]  }
0xcc: {  	v57 =	vadd.s32 s24, v34;
	v36 =	vld.idx.msk [tilespmem:v38+s14+$0x0], $0xffff  }
0xcd: {  	v7 =	vadd.f32 v12, v7;
	v12 =	vadd.f32 v21, v16;
	v16 =	vld.idx.msk [tilespmem:v48+s18+$0x0], $0xffff  }
0xce: {  	v8 =	vmul.f32 v13, v8;
	v2 =	vadd.f32 v10, v2;
	v21 =	vld [tilespmem:$0x1FE20]  }
0xcf: {  	v4 =	vadd.f32 v14, v4;
	v10 =	vmul.f32 v24, v43;
	v24 =	vld [tilespmem:$0x1FE40]  }
0xd0: {  	v1 =	vadd.f32 v52, v1;
	v2 =	vadd.f32 v8, v2;
	v8 =	vld.idx.msk [tilespmem:v55+s18+$0x0], $0xffff;
	v13 =	vadd.s32 s24, v17  }
0xd1: {  	v4 =	vadd.f32 v53, v4;
	v14 =	vadd.f32 v10, v12;
	v10 =	vld.idx.msk [tilespmem:v57+s14+$0x0], $0xffff  }
0xd2: {  	v7 =	vadd.f32 v45, v7;
	v0 =	vadd.f32 v3, v0;
	v12 =	vld.idx.msk [tilespmem:v57+s15+$0x0], $0xffff;
	v3 =	vadd.s32 s24, v18  }
0xd3: {  	v5 =	vadd.f32 v5, v6;
	v55 =	vld [tilespmem:$0x1FE90];
	v2 =	vadd.f32 v2, v14  }
0xd4: {  	s28 =	sadd.s32 $0xFFFFFFF0, s24;
	v1 =	vadd.f32 v4, v1;
	v4 =	vadd.s32 s24, v20;
	v14 =	vld.idx.msk [tilespmem:v9+s14+$0x0], $0xffff  }
0xd5: {  	v51 =	vadd.s32 s28, v17;
	v0 =	vadd.f32 v2, v0;
	v2 =	vadd.f32 v5, v7;
	v45 =	vld.idx.msk [tilespmem:v13+s14+$0x0], $0xffff  }
0xd6: {  	v17 =	vadd.s32 s28, v18;
	v61 =	vld.idx.msk [tilespmem:v13+s15+$0x0], $0xffff  }
0xd7: {  	v2 =	vadd.f32 v2, v1;
	v1 =	vld.idx.msk [tilespmem:v3+s14+$0x0], $0xffff  }
0xd8: {  	v18 =	vadd.s32 s28, v20;
	v22 =	vld.idx.msk [tilespmem:v3+s15+$0x0], $0xffff  }
0xd9: {  	v0 =	vadd.f32 v0, v8;
	v26 =	vld.idx.msk [tilespmem:v4+s15+$0x0], $0xffff  }
0xda: {  	v43 =	vld.idx.msk [tilespmem:v51+s14+$0x0], $0xffff  }
0xdb: {  	v3 =	vadd.s32 s24, v28;
	v46 =	vld.idx.msk [tilespmem:v17+s14+$0x0], $0xffff;
	v0 =	vsub.f32 $0.0e+00, v0  }
0xdc: {  	v49 =	vld.idx.msk [tilespmem:v17+s15+$0x0], $0xffff;
	v6 =	vadd.f32 v2, v11  }
0xdd: {  	v20 =	vadd.s32 s28, v23;
	v47 =	vld.idx.msk [tilespmem:v18+s14+$0x0], $0xffff;
	v0 =	vmul.f32 $1.442695020e+00, v0  }
0xde: {  	v5 =	vadd.s32 s24, v29;
	v50 =	vld.idx.msk [tilespmem:v18+s15+$0x0], $0xffff;
	v6 =	vsub.f32 $0.0e+00, v6  }
0xdf: {  	v2 =	vld.idx.msk [tilespmem:v4+s14+$0x0], $0xffff;
	(erf) = vpow2.f32 v0  }
0xe0: {  	v7 =	vadd.s32 s24, v21;
	v30 =	vld.idx.msk [tilespmem:v3+s14+$0x0], $0xffff;
	v4 =	vmul.f32 $1.442695020e+00, v6  }
0xe1: {  	v31 =	vld.idx.msk [tilespmem:v3+s15+$0x0], $0xffff;
	v3 =	vadd.s32 s24, v37  }
0xe2: {  	v18 =	vld.idx.msk [tilespmem:v20+s15+$0x0], $0xffff;
	(erf) = vpow2.f32 v4;
	v4 =	vadd.s32 s24, v25  }
0xe3: {  	v28 =	vld.idx.msk [tilespmem:v5+s14+$0x0], $0xffff  }
0xe4: {  	v29 =	vld.idx.msk [tilespmem:v5+s15+$0x0], $0xffff;
	v0 =	vadd.s32 s24, v23  }
0xe5: {  	v32 =	vld.idx.msk [tilespmem:v7+s14+$0x0], $0xffff  }
0xe6: {  	v58 =	vld.idx.msk [tilespmem:v3+s14+$0x0], $0xffff  }
0xe7: {  	v57 =	vld.idx.msk [tilespmem:v4+s14+$0x0], $0xffff  }
0xe8: {  	v5 =	vadd.s32 s24, v24;
	v59 =	vld.idx.msk [tilespmem:v4+s15+$0x0], $0xffff;
	v4 =	vpop (erf)  }
0xe9: {  	v6 =	vadd.s32 s24, v44;
	v54 =	vld.idx.msk [tilespmem:v0+s14+$0x0], $0xffff;
	v4 =	vadd.f32 $1.000000000e+00, v4  }
0xea: {  	v56 =	vld.idx.msk [tilespmem:v0+s15+$0x0], $0xffff;
	v0 =	vadd.s32 s24, v40  }
0xeb: {  	v60 =	vld.idx.msk [tilespmem:v3+s15+$0x0], $0xffff;
	v3 =	vpop (erf);
	(erf) = vrcp.f32 v4  }
0xec: {  	v33 =	vld.idx.msk [tilespmem:v7+s15+$0x0], $0xffff;
	v3 =	vadd.f32 $1.000000000e+00, v3  }
0xed: {  	v62 =	vld.idx.msk [tilespmem:v5+s14+$0x0], $0xffff  }
0xee: {  	v7 =	vld.idx.msk [tilespmem:v6+s14+$0x0], $0xffff;
	(erf) = vrcp.f32 v3;
	v3 =	vadd.s32 s28, v34  }
0xef: {  	v63 =	vld.idx.msk [tilespmem:v0+s14+$0x0], $0xffff  }
0xf0: {  	v8 =	vadd.s32 s24, v55;
	v4 =	vld.idx.msk [tilespmem:v5+s15+$0x0], $0xffff  }
0xf1: {  	v5 =	vld.idx.msk [tilespmem:v0+s15+$0x0], $0xffff;
	v0 =	vadd.s32 s28, v35  }
0xf2: {  	v9 =	vld.idx.msk [tilespmem:v6+s15+$0x0], $0xffff  }
0xf3: {  	v11 =	vld.idx.msk [tilespmem:v3+s14+$0x0], $0xffff  }
0xf4: {  	v23 =	vadd.s32 s28, v55;
	v13 =	vld.idx.msk [tilespmem:v3+s15+$0x0], $0xffff;
	v3 =	vpop (erf)  }
0xf5: {  	v6 =	vld.idx.msk [tilespmem:v8+s14+$0x0], $0xffff;
	v3 =	vmul.f32 v3, v16;
	v16 =	vadd.s32 s28, v21  }
0xf6: {  	v41 =	vld.idx.msk [tilespmem:v0+s14+$0x0], $0xffff  }
0xf7: {  	v42 =	vld.idx.msk [tilespmem:v0+s15+$0x0], $0xffff;
	v0 =	vpop (erf)  }
0xf8: {  	v8 =	vld.idx.msk [tilespmem:v8+s15+$0x0], $0xffff;
	v3 =	vadd.f32 v3, v27;
	v0 =	vmul.f32 v0, v15  }
0xf9: {  	v53 =	vmul.f32 v19, v14;
	v14 =	vmul.f32 v26, v2;
	v2 =	vld.idx.msk [tilespmem:v23+s14+$0x0], $0xffff;
	v21 =	vadd.s32 s28, v40  }
0xfa: {  	v27 =	vadd.f32 v0, v3;
	v0 =	vadd.s32 s28, v24;
	v15 =	vld.idx.msk [tilespmem:v16+s14+$0x0], $0xffff  }
0xfb: {  	v17 =	vld.idx.msk [tilespmem:v16+s15+$0x0], $0xffff  }
0xfc: {  	v24 =	vadd.s32 s28, v44;
	v16 =	vld.idx.msk [tilespmem:v20+s14+$0x0], $0xffff  }
0xfd: {  	v20 =	vld [tilespmem:$0x1FEA0]  }
0xfe: {  	p0 =	slt.u32 s25, $0x18;
	v40 =	vld.idx.msk [tilespmem:v21+s14+$0x0], $0xffff  }
.Ltmp1:
0xff: {  	s30 =	sadd.s32 $0x20, s25;
	v3 =	vld.idx.msk [tilespmem:v0+s14+$0x0], $0xffff;
	(pc) =	sbr.rel @p0 .LBB2_6-.Ltmp1, $4  }
0x100: {  	s31 =	sadd.s32 $0x1, s25;
	v48 =	vadd.s32 s30, v39;
	v52 =	vmul.f32 v12, v10;
	v10 =	vmul.f32 v22, v1;
	v0 =	vld.idx.msk [tilespmem:v0+s15+$0x0], $0xffff  }
0x101: {  	v45 =	vmul.f32 v61, v45;
	v61 =	vadd.s32 s31, v39;
	v25 =	vadd.s32 s28, v25;
	v22 =	vld.idx.msk [tilespmem:v24+s15+$0x0], $0xffff  }
0x102: {  	s29 =	sadd.s32 $0x21, s25;
	v12 =	vmul.f32 v29, v28;
	v1 =	vmul.f32 v33, v32;
	v55 =	vadd.s32 s26, v20;
	v20 =	vld.idx.msk [tilespmem:v21+s15+$0x0], $0xffff  }
0x103: {  	v19 =	vmul.f32 v31, v30;
	v44 =	vadd.s32 s29, v39;
	s26 =	smov.u32 s25;
	v21 =	vld.idx.msk [tilespmem:v24+s14+$0x0], $0xffff;
	v24 =	vadd.s32 s28, v37;
	s25 =	sadd.s32 $0x2, s25  }
0x104: {  	_ = 	snop  }
0x105: {  	v29 =	vld [tilespmem:$0x1FDC0];
	_ =	sdelay $0x1  }
0x106: {  	v4 =	vmul.f32 v4, v62;
	v62 =	vld [tilespmem:$0x1FDD0]  }
0x107: {  	v26 =	vmul.f32 v56, v54;
	v28 =	vmul.f32 v59, v57;
	v23 =	vld.idx.msk [tilespmem:v23+s15+$0x0], $0xffff  }
0x108: {  	v30 =	vmul.f32 v60, v58;
	v5 =	vmul.f32 v5, v63;
	v33 =	vld [tilespmem:$0x1FE50]  }
0x109: {  	v31 =	vld.idx.msk [tilespmem:v25+s14+$0x0], $0xffff;
	v7 =	vmul.f32 v9, v7;
	v11 =	vmul.f32 v13, v11;
	v29 =	vadd.s32 s28, v29  }
0x10a: {  	v60 =	vld.idx.msk [tilespmem:v25+s15+$0x0], $0xffff;
	v6 =	vmul.f32 v8, v6;
	v0 =	vmul.f32 v0, v3  }
0x10b: {  	v63 =	vld.idx.msk [tilespmem:v24+s14+$0x0], $0xffff;
	v4 =	vadd.f32 $0.0e+00, v4;
	v5 =	vadd.f32 $0.0e+00, v5;
	v25 =	vadd.s32 s28, v62  }
0x10c: {  	v15 =	vmul.f32 v17, v15;
	v39 =	vld.idx.msk [tilespmem:v51+s15+$0x0], $0xffff;
	v7 =	vadd.f32 $0.0e+00, v7;
	v6 =	vadd.f32 $0.0e+00, v6  }
0x10d: {  	v32 =	vmul.f32 v20, v40;
	v20 =	vld.idx.msk [tilespmem:v24+s15+$0x0], $0xffff;
	v0 =	vadd.f32 $0.0e+00, v0;
	v13 =	vadd.s32 s28, v33  }
0x10e: {  	v21 =	vmul.f32 v22, v21;
	v1 =	vadd.f32 v1, v4;
	v37 =	vadd.f32 v26, v5;
	v22 =	vld.idx.msk [tilespmem:v29+s14+$0x0], $0xffff  }
0x10f: {  	v7 =	vadd.f32 v28, v7;
	v6 =	vadd.f32 v30, v6;
	v2 =	vmul.f32 v23, v2;
	v23 =	vld.idx.msk [tilespmem:v29+s15+$0x0], $0xffff  }
0x110: {  	v16 =	vmul.f32 v18, v16;
	v3 =	vadd.f32 $0.0e+00, v32;
	v0 =	vadd.f32 v15, v0;
	v34 =	vld.idx.msk [tilespmem:v25+s14+$0x0], $0xffff  }
0x111: {  	v40 =	vmul.f32 v49, v46;
	v21 =	vadd.f32 $0.0e+00, v21;
	v1 =	vadd.f32 v10, v1;
	v35 =	vld.idx.msk [tilespmem:v25+s15+$0x0], $0xffff  }
0x112: {  	v4 =	vadd.f32 v14, v37;
	v7 =	vadd.f32 v12, v7;
	v8 =	vmul.f32 v20, v63;
	v20 =	vld.idx.msk [tilespmem:v13+s14+$0x0], $0xffff  }
0x113: {  	v9 =	vmul.f32 v60, v31;
	v6 =	vadd.f32 v19, v6;
	v2 =	vadd.f32 $0.0e+00, v2;
	v13 =	vld.idx.msk [tilespmem:v13+s15+$0x0], $0xffff  }
0x114: {  	v46 =	vmul.f32 v50, v47;
	v47 =	vld.idx.msk [tilespmem:v38+s15+$0x0], $0xffff;
	v3 =	vadd.f32 v16, v3;
	v0 =	vadd.f32 v40, v0  }
0x115: {  	v50 =	vmul.f32 v42, v41;
	v9 =	vadd.f32 v9, v21;
	v1 =	vadd.f32 v52, v1  }
0x116: {  	v2 =	vadd.f32 v8, v2;
	v21 =	vmul.f32 v23, v22;
	v49 =	vmul.f32 v35, v34  }
0x117: {  	v5 =	vmul.f32 v39, v43;
	v4 =	vadd.f32 v53, v4;
	v3 =	vadd.f32 v46, v3  }
0x118: {  	v51 =	vmul.f32 v13, v20;
	v9 =	vadd.f32 v21, v9;
	v2 =	vadd.f32 v49, v2  }
0x119: {  	v54 =	vmul.f32 v47, v36;
	v0 =	vadd.f32 v11, v0;
	v3 =	vadd.f32 v50, v3  }
0x11a: {  	v5 =	vadd.f32 v5, v9;
	v2 =	vadd.f32 v51, v2  }
0x11b: {  	v56 =	vld.idx.msk [tilespmem:v55+s18+$0x0], $0xffff;
	v7 =	vadd.f32 v45, v7;
	v6 =	vadd.f32 v54, v6  }
0x11c: {  	v0 =	vadd.f32 v3, v0;
	v2 =	vadd.f32 v2, v5  }
0x11d: {  	v57 =	vld.idx.msk [tilespmem:v61+s18+$0x0], $0xffff;
	v1 =	vadd.f32 v4, v1  }
0x11e: {  	v58 =	vadd.f32 v6, v7;
	v0 =	vadd.f32 v2, v0;
	_ =	sdelay $0x1  }
0x11f: {  	v1 =	vadd.f32 v58, v1;
	v0 =	vadd.f32 v0, v56;
	_ =	sdelay $0x1  }
0x120: {  	v1 =	vadd.f32 v1, v57;
	v0 =	vsub.f32 $0.0e+00, v0;
	_ =	sdelay $0x1  }
0x121: {  	v1 =	vsub.f32 $0.0e+00, v1;
	v0 =	vmul.f32 $1.442695020e+00, v0;
	_ =	sdelay $0x1  }
0x122: {  	v1 =	vmul.f32 $1.442695020e+00, v1;
	(erf) = vpow2.f32 v0;
	_ =	sdelay $0x1  }
0x123: {  	(erf) = vpow2.f32 v1;
	_ =	sdelay $0x6  }
0x124: {  	v0 =	vpop (erf)  }
0x125: {  	v0 =	vadd.f32 $1.000000000e+00, v0  }
0x126: {  	v1 =	vpop (erf)  }
0x127: {  	v1 =	vadd.f32 $1.000000000e+00, v1;
	(erf) = vrcp.f32 v0;
	_ =	sdelay $0x1  }
0x128: {  	(erf) = vrcp.f32 v1;
	_ =	sdelay $0x2  }
0x129: {  	v59 =	vld.idx.msk [tilespmem:v48+s18+$0x0], $0xffff;
	_ =	sdelay $0x1  }
0x12a: {  	v60 =	vld.idx.msk [tilespmem:v44+s18+$0x0], $0xffff  }
0x12b: {  	v63 =	vld [tilespmem:$0x1FED0]  }
0x12c: {  	v61 =	vpop (erf)  }
0x12d: {  	s22 =	sadd.s32 $0x1, s22;
	v0 =	vmul.f32 v61, v59  }
0x12e: {  	p0 =	sne.s32 s22, $0x4;
	v62 =	vpop (erf)  }
.Ltmp2:
0x12f: {  	v1 =	vmul.f32 v62, v60;
	v0 =	vadd.f32 v0, v27;
	(pc) =	sbr.rel @p0 .LBB2_5-.Ltmp2, $3  }
0x130: {  	_ = 	snop  }
0x131: {  	v0 =	vadd.f32 v1, v0;
	_ =	sdelay $0x1  }
0x132: {  	v22 =	vlaneseq.u32;
	[tilespmem:v63+s23+$0x0 ss:$0x1] =	vst.idx.msk $0xffff, v0  }
0x133: {  	s21 =	sadd.s32 $0x1, s21  }
0x134: {  	p0 =	sne.s32 s21, $0x8  }
.Ltmp3:
0x135: {  	_ = 	snop;
	(pc) =	sbr.rel @p0 .LBB2_2-.Ltmp3, $4  }
0x136: {  	_ = 	snop  }
0x137: {  	v19 =	vld [tilespmem:$0x1FFD0]  }
0x138: {  	v20 =	vld [tilespmem:$0x1FFE0]  }
0x139: {  	v21 =	vld [tilespmem:$0x1FFF0]  }
0x13a: {  	s20 =	sadd.s32 $0x1, s20  }
0x13b: {  	p0 =	sne.s32 s20, s10  }
.Ltmp4:
0x13c: {  	_ = 	snop;
	(pc) =	sbr.rel @p0 .LBB2_1-.Ltmp4, $4  }
0x13d: {  	[hbm4b:s9+s2] =	stream.linear.scatter [tilespmem:s19], [sflag:$0x2], $0x200, $0x38;
	[tilespmem:$0x10640] =	vst v63  }
0x13e: {  	_ =	swait.ge [sflag:s11], $0x200  }
0x13f: {  	[sflag:s11] =	ssyncset.done $0x0  }
0x140: {  	[sflag:s11] =	ssyncadd.s32 $0xFFFFFE00  }
0x141: {  	_ =	sfence.sel $0x180000  }
0x142: {  	[bflag:$0x0] =	sbarrier.arrive $0xFFFF  }
0x143: {  	p0 =	sne.s32 s3, $0x0;
	_ =	strace $0x90000047  }
0x144: {  	s0 =	sadd.s32 @!p0 $0x100000, s1;
	[bflag:$0x2] =	sbarrier.arrive $0xFFFF  }
0x145: {  	[sflag:s0] =	ssyncadd.tile.s32 @!p0 $0x1;
	_ =	shalt  }
.Lfunc_end2:
_tile_overlayer_lowered:
.L_overlay_start_2:
0x146: {  	(tag) =	ssettag $0x2  }
0x147: {  	s0 =	rddreg [dreg:$0x0];
	s2 =	stileid.u32  }
0x148: {  	s1 =	rddreg [dreg:$0x1];
	p0 =	sne.s32 s2, $0x0  }
0x149: {  	s3 =	rddreg [dreg:$0x2];
	[bflag:$0x3] =	sbarrier.arrive $0xFFFF;
	s2 =	simm.s32 @!p0 $0x1C02  }
0x14a: {  	[timem:s3], [sflag:s2] =	dma.local @!p0 [hbm:s0], s1  }
0x14b: {  	s0 =	simm.s32 @!p0 $0x2  }
0x14c: {  	_ =	swait.ge @!p0 [sflag:s0], s1  }
0x14d: {  	s1 =	ssub.s32 @!p0 $0x0, s1;
	[sflag:s0] =	ssyncset.done @!p0 $0x0  }
0x14e: {  	[sflag:s0] =	ssyncadd.s32 @!p0 s1  }
0x14f: {  	[bflag:$0x3] =	sbarrier.arrive $0xFFFF  }
0x150: {  	_ =	shalt  }

</sc_bundles>
